<compile_context>
chip_gen: v7x
topology: tpu7x:2x2x1
jax: 0.10.2.dev20260603
libtpu: 0.0.44.dev20260713+nightly
codegen_flags: <defaults>
</compile_context>

<pallas_src>
import functools

import jax
import jax.numpy as jnp
from jax import lax
from jax.experimental import pallas as pl
from jax.experimental.pallas import tpu as pltpu
from jax.experimental.pallas import tpu_sc as plsc

_NUM_EDGES = 800000
_EMB_DIM = 64
_NW = 32
_BUF_COLS = 3200
_N_COL_CHUNKS = _NUM_EDGES // _BUF_COLS
_TILES_PER_RB = 4
_PER_TILE = 63
_FIRE = 63


def _tc_lookup(mid_ref, tableT_ref, out_ref, stage_v, sem):
    c = mid_ref[0] % 128
    lane = jax.lax.broadcasted_iota(jnp.int32, (1, 128), 1)
    masked = jnp.where(lane == c, tableT_ref[...], 0.0)
    col = jnp.sum(masked, axis=1, keepdims=True)
    stage_v[...] = jnp.broadcast_to(col, stage_v.shape)
    pltpu.make_async_copy(stage_v, out_ref, sem).start()
    pltpu.make_async_copy(stage_v, out_ref, sem).wait()


def _sc_body(stage_hbm, out_hbm, stage_v, buf_v, sem_o):
    wid = lax.axis_index("s") * 2 + lax.axis_index("c")
    rb = pl.multiple_of((wid % 8) * 8, 8)
    q = wid // 8

    pltpu.sync_copy(stage_hbm, stage_v)
    regs = tuple(stage_v[rb + j, pl.ds(0, 16)] for j in range(8))

    def fill(t, carry):
        for j in range(8):
            buf_v[j, pl.ds(t * 16, 16)] = carry[j]
        return carry

    lax.fori_loop(0, _BUF_COLS // 16, fill, regs)

    first = q * 63
    for g in range(0, _PER_TILE, _FIRE):
        copies = []
        for t in range(g, min(g + _FIRE, _PER_TILE)):
            cc = pl.multiple_of(
                jnp.minimum(first + t, _N_COL_CHUNKS - 1) * _BUF_COLS, _BUF_COLS
            )
            copies.append(
                pltpu.make_async_copy(
                    buf_v,
                    out_hbm.at[pl.ds(rb, 8), pl.ds(cc, _BUF_COLS)],
                    sem_o,
                )
            )
        for cpy in copies:
            cpy.start()
        for cpy in copies:
            cpy.wait()


def kernel(material_id, num_edges, table):
    del num_edges
    tableT = jnp.swapaxes(table, 0, 1)

    stage = pl.pallas_call(
        _tc_lookup,
        grid_spec=pltpu.PrefetchScalarGridSpec(
            num_scalar_prefetch=1,
            grid=(1,),
            in_specs=[
                pl.BlockSpec((_EMB_DIM, 128), lambda i, mid: (0, mid[0] // 128)),
            ],
            out_specs=pl.BlockSpec(memory_space=pl.ANY),
            scratch_shapes=[
                pltpu.VMEM((_EMB_DIM, 16), jnp.float32),
                pltpu.SemaphoreType.DMA,
            ],
        ),
        out_shape=jax.ShapeDtypeStruct((_EMB_DIM, 16), jnp.float32),
    )(material_id, tableT)

    mesh = plsc.VectorSubcoreMesh(core_axis_name="c", subcore_axis_name="s")
    kern = functools.partial(
        pl.kernel,
        mesh=mesh,
        out_type=jax.ShapeDtypeStruct((_EMB_DIM, _NUM_EDGES), jnp.float32),
        scratch_types=[
            pltpu.VMEM((_EMB_DIM, 16), jnp.float32),
            pltpu.VMEM((8, _BUF_COLS), jnp.float32),
            pltpu.SemaphoreType.DMA,
        ],
    )(_sc_body)
    wide = kern(stage)
    return jnp.swapaxes(wide, 0, 1)

# --- scband reference (transcript-rebuilt; emitter-appended) ---
"""Pipeline reference for scband-material-embedding-59777354826200 (READ-ONLY COPY).

The authoritative reference and input builder live on the scoring server;
editing this copy changes nothing except your own understanding.
"""

import jax, jax.numpy as jnp
import numpy as np

NUM_CLASSES = 100000
EMB_DIM = 64
NUM_EDGES = 800000

def setup_inputs(seed: int = 0) -> dict:
    key = jax.random.key(seed)
    k1, k2 = jax.random.split(key)
    material_id = jax.random.randint(k1, (1,), 0, NUM_CLASSES, dtype=jnp.int64 if jax.config.jax_enable_x64 else jnp.int32).astype(jnp.int32)
    table = jax.random.normal(k2, (NUM_CLASSES, EMB_DIM), dtype=jnp.float32) * 0.02
    return {"material_id": material_id, "num_edges": NUM_EDGES, "table": table}

def reference(material_id, num_edges, table):
    # emb = self.table(material_id.view(1)).view(1, -1)
    emb = jnp.take(table, material_id.reshape(1), axis=0).reshape(1, -1)
    emb = emb + (jnp.asarray(num_edges) * 0).astype(emb.dtype)
    # emb.expand(num_edges, -1)
    return jnp.broadcast_to(emb, (NUM_EDGES, emb.shape[1]))

if __name__ == "__main__":
    import jax
    _d = setup_inputs()
    print(jax.jit(kernel)(*tuple(_d.values())))

</pallas_src>

<mosaic_0001>
#map = affine_map<(d0, d1) -> (0, 0)>
module attributes {stable_mosaic.version = 14 : i64} {
  func.func @_sc_body(%arg0: i32, %arg1: i32, %arg2: memref<64x16xf32, #tpu.memory_space<hbm>>, %arg3: memref<64x800000xf32, #tpu.memory_space<hbm>>, %arg4: memref<64x16xf32, #tpu.memory_space<vmem>>, %arg5: memref<8x3200xf32, #tpu.memory_space<vmem>>, %arg6: memref<!tpu.dma_semaphore, #tpu.memory_space<semaphore_mem>>) attributes {dimension_semantics = [#tpu.dimension_semantics<core_parallel>, #tpu.dimension_semantics<subcore_parallel>], iteration_bounds = array<i64: 2, 16>, scalar_prefetch = 0 : i64, scratch_operands = 3 : i64, tpu.core_type = #tpu.core_type<sc_vector_subcore>, window_params = [{transform_indices = #map}, {transform_indices = #map}]} {
    %mul3A = arith.constant 2 : i32
    %mul3A_0 = arith.muli %arg1, %mul3A : i32
    %add3A = arith.addi %mul3A_0, %arg0 : i32
    %jit3A = arith.constant 8 : i32
    %eq3A = arith.constant 0 : i32
    %eq3A_1 = arith.cmpi eq, %jit3A, %eq3A : i32
    %jit3A_2 = arith.constant 1 : i32
    %select_n3A = arith.select %eq3A_1, %jit3A_2, %jit3A : i32
    %rem3A = arith.remsi %add3A, %select_n3A : i32
    %ne3A = arith.constant 0 : i32
    %ne3A_3 = arith.cmpi ne, %rem3A, %ne3A : i32
    %lt3A = arith.constant 0 : i32
    %lt3A_4 = arith.cmpi slt, %rem3A, %lt3A : i32
    %lt3A_5 = arith.constant 0 : i32
    %lt3A_6 = arith.cmpi slt, %select_n3A, %lt3A_5 : i32
    %ne3A_7 = arith.xori %lt3A_4, %lt3A_6 : i1
    %and3A = arith.andi %ne3A_7, %ne3A_3 : i1
    %add3A_8 = arith.addi %rem3A, %select_n3A : i32
    %select_n3A_9 = arith.select %and3A, %add3A_8, %rem3A : i32
    %mul3A_10 = arith.constant 8 : i32
    %mul3A_11 = arith.muli %select_n3A_9, %mul3A_10 : i32
    %multiple_of3A = tpu.assume_multiple %mul3A_11, 8 : i32
    %jit3A_12 = arith.constant 8 : i32
    %div3A = arith.divsi %add3A, %jit3A_12 : i32
    %sign3A = arith.constant 0 : i32
    %sign3A_13 = arith.cmpi sgt, %add3A, %sign3A : i32
    %sign3A_14 = arith.extui %sign3A_13 : i1 to i32
    %sign3A_15 = arith.constant 0 : i32
    %sign3A_16 = arith.cmpi slt, %add3A, %sign3A_15 : i32
    %sign3A_17 = arith.extui %sign3A_16 : i1 to i32
    %sign3A_18 = arith.subi %sign3A_14, %sign3A_17 : i32
    %sign3A_19 = arith.constant 0 : i32
    %sign3A_20 = arith.cmpi sgt, %jit3A_12, %sign3A_19 : i32
    %sign3A_21 = arith.extui %sign3A_20 : i1 to i32
    %sign3A_22 = arith.constant 0 : i32
    %sign3A_23 = arith.cmpi slt, %jit3A_12, %sign3A_22 : i32
    %sign3A_24 = arith.extui %sign3A_23 : i1 to i32
    %sign3A_25 = arith.subi %sign3A_21, %sign3A_24 : i32
    %ne3A_26 = arith.cmpi ne, %sign3A_18, %sign3A_25 : i32
    %rem3A_27 = arith.remsi %add3A, %jit3A_12 : i32
    %ne3A_28 = arith.constant 0 : i32
    %ne3A_29 = arith.cmpi ne, %rem3A_27, %ne3A_28 : i32
    %and3A_30 = arith.andi %ne3A_26, %ne3A_29 : i1
    %sub3A = arith.constant 1 : i32
    %sub3A_31 = arith.subi %div3A, %sub3A : i32
    %select_n3A_32 = arith.select %and3A_30, %sub3A_31, %div3A : i32
    "tpu.region"() ({
      %run_scoped3A = tpu.sem_alloc : memref<!tpu.dma_semaphore, #tpu.memory_space<semaphore_mem>>
      tpu.enqueue_dma source(%arg2 : memref<64x16xf32, #tpu.memory_space<hbm>>) target(%arg4 : memref<64x16xf32, #tpu.memory_space<vmem>>) target_semaphore(%run_scoped3A : memref<!tpu.dma_semaphore, #tpu.memory_space<semaphore_mem>>)
      tpu.wait_dma2 semaphore(%run_scoped3A : memref<!tpu.dma_semaphore, #tpu.memory_space<semaphore_mem>>) src(%arg2 : memref<64x16xf32, #tpu.memory_space<hbm>>) dst(%arg4 : memref<64x16xf32, #tpu.memory_space<vmem>>)
      tpu.yield
    }) : () -> ()
    %add3A_33 = arith.constant 0 : i32
    %add3A_34 = arith.addi %multiple_of3A, %add3A_33 : i32
    %get3A = arith.index_cast %add3A_34 : i32 to index
    %get3A_35 = arith.constant 0 : index
    %get3A_36 = tpu.vector_load %arg4[%get3A, %get3A_35] {strides = array<i32>} : memref<64x16xf32, #tpu.memory_space<vmem>>, vector<1x16xf32>,
    %get3A_37 = vector.shape_cast %get3A_36 : vector<1x16xf32> to vector<16xf32>
    %add3A_38 = arith.constant 1 : i32
    %add3A_39 = arith.addi %multiple_of3A, %add3A_38 : i32
    %get3A_40 = arith.index_cast %add3A_39 : i32 to index
    %get3A_41 = arith.constant 0 : index
    %get3A_42 = tpu.vector_load %arg4[%get3A_40, %get3A_41] {strides = array<i32>} : memref<64x16xf32, #tpu.memory_space<vmem>>, vector<1x16xf32>,
    %get3A_43 = vector.shape_cast %get3A_42 : vector<1x16xf32> to vector<16xf32>
    %add3A_44 = arith.constant 2 : i32
    %add3A_45 = arith.addi %multiple_of3A, %add3A_44 : i32
    %get3A_46 = arith.index_cast %add3A_45 : i32 to index
    %get3A_47 = arith.constant 0 : index
    %get3A_48 = tpu.vector_load %arg4[%get3A_46, %get3A_47] {strides = array<i32>} : memref<64x16xf32, #tpu.memory_space<vmem>>, vector<1x16xf32>,
    %get3A_49 = vector.shape_cast %get3A_48 : vector<1x16xf32> to vector<16xf32>
    %add3A_50 = arith.constant 3 : i32
    %add3A_51 = arith.addi %multiple_of3A, %add3A_50 : i32
    %get3A_52 = arith.index_cast %add3A_51 : i32 to index
    %get3A_53 = arith.constant 0 : index
    %get3A_54 = tpu.vector_load %arg4[%get3A_52, %get3A_53] {strides = array<i32>} : memref<64x16xf32, #tpu.memory_space<vmem>>, vector<1x16xf32>,
    %get3A_55 = vector.shape_cast %get3A_54 : vector<1x16xf32> to vector<16xf32>
    %add3A_56 = arith.constant 4 : i32
    %add3A_57 = arith.addi %multiple_of3A, %add3A_56 : i32
    %get3A_58 = arith.index_cast %add3A_57 : i32 to index
    %get3A_59 = arith.constant 0 : index
    %get3A_60 = tpu.vector_load %arg4[%get3A_58, %get3A_59] {strides = array<i32>} : memref<64x16xf32, #tpu.memory_space<vmem>>, vector<1x16xf32>,
    %get3A_61 = vector.shape_cast %get3A_60 : vector<1x16xf32> to vector<16xf32>
    %add3A_62 = arith.constant 5 : i32
    %add3A_63 = arith.addi %multiple_of3A, %add3A_62 : i32
    %get3A_64 = arith.index_cast %add3A_63 : i32 to index
    %get3A_65 = arith.constant 0 : index
    %get3A_66 = tpu.vector_load %arg4[%get3A_64, %get3A_65] {strides = array<i32>} : memref<64x16xf32, #tpu.memory_space<vmem>>, vector<1x16xf32>,
    %get3A_67 = vector.shape_cast %get3A_66 : vector<1x16xf32> to vector<16xf32>
    %add3A_68 = arith.constant 6 : i32
    %add3A_69 = arith.addi %multiple_of3A, %add3A_68 : i32
    %get3A_70 = arith.index_cast %add3A_69 : i32 to index
    %get3A_71 = arith.constant 0 : index
    %get3A_72 = tpu.vector_load %arg4[%get3A_70, %get3A_71] {strides = array<i32>} : memref<64x16xf32, #tpu.memory_space<vmem>>, vector<1x16xf32>,
    %get3A_73 = vector.shape_cast %get3A_72 : vector<1x16xf32> to vector<16xf32>
    %add3A_74 = arith.constant 7 : i32
    %add3A_75 = arith.addi %multiple_of3A, %add3A_74 : i32
    %get3A_76 = arith.index_cast %add3A_75 : i32 to index
    %get3A_77 = arith.constant 0 : index
    %get3A_78 = tpu.vector_load %arg4[%get3A_76, %get3A_77] {strides = array<i32>} : memref<64x16xf32, #tpu.memory_space<vmem>>, vector<1x16xf32>,
    %get3A_79 = vector.shape_cast %get3A_78 : vector<1x16xf32> to vector<16xf32>
    %scan3A = arith.constant 0 : i32
    %scan3A_80 = arith.constant 200 : i32
    %scan3A_81 = arith.addi %scan3A, %scan3A_80 : i32
    %scan3A_82 = arith.constant 1 : i32
    scf.for %scan3A_776 = %scan3A to %scan3A_81 step %scan3A_82  : i32 {
      %mul3A_777 = arith.constant 16 : i32
      %mul3A_778 = arith.muli %scan3A_776, %mul3A_777 : i32
      %swap3A = arith.constant 0 : i32
      %swap3A_779 = arith.index_cast %swap3A : i32 to index
      %swap3A_780 = arith.index_cast %mul3A_778 : i32 to index
      %swap3A_781 = tpu.vector_load %arg5[%swap3A_779, %swap3A_780] {strides = array<i32>} : memref<8x3200xf32, #tpu.memory_space<vmem>>, vector<1x16xf32>,
      %swap3A_782 = vector.shape_cast %swap3A_781 : vector<1x16xf32> to vector<16xf32>
      %swap3A_783 = vector.shape_cast %get3A_37 : vector<16xf32> to vector<1x16xf32>
      tpu.vector_store %arg5[%swap3A_779, %swap3A_780], %swap3A_783 {strides = array<i32>} : memref<8x3200xf32, #tpu.memory_space<vmem>>, vector<1x16xf32>,
      %mul3A_784 = arith.constant 16 : i32
      %mul3A_785 = arith.muli %scan3A_776, %mul3A_784 : i32
      %swap3A_786 = arith.constant 1 : i32
      %swap3A_787 = arith.index_cast %swap3A_786 : i32 to index
      %swap3A_788 = arith.index_cast %mul3A_785 : i32 to index
      %swap3A_789 = tpu.vector_load %arg5[%swap3A_787, %swap3A_788] {strides = array<i32>} : memref<8x3200xf32, #tpu.memory_space<vmem>>, vector<1x16xf32>,
      %swap3A_790 = vector.shape_cast %swap3A_789 : vector<1x16xf32> to vector<16xf32>
      %swap3A_791 = vector.shape_cast %get3A_43 : vector<16xf32> to vector<1x16xf32>
      tpu.vector_store %arg5[%swap3A_787, %swap3A_788], %swap3A_791 {strides = array<i32>} : memref<8x3200xf32, #tpu.memory_space<vmem>>, vector<1x16xf32>,
      %mul3A_792 = arith.constant 16 : i32
      %mul3A_793 = arith.muli %scan3A_776, %mul3A_792 : i32
      %swap3A_794 = arith.constant 2 : i32
      %swap3A_795 = arith.index_cast %swap3A_794 : i32 to index
      %swap3A_796 = arith.index_cast %mul3A_793 : i32 to index
      %swap3A_797 = tpu.vector_load %arg5[%swap3A_795, %swap3A_796] {strides = array<i32>} : memref<8x3200xf32, #tpu.memory_space<vmem>>, vector<1x16xf32>,
      %swap3A_798 = vector.shape_cast %swap3A_797 : vector<1x16xf32> to vector<16xf32>
      %swap3A_799 = vector.shape_cast %get3A_49 : vector<16xf32> to vector<1x16xf32>
      tpu.vector_store %arg5[%swap3A_795, %swap3A_796], %swap3A_799 {strides = array<i32>} : memref<8x3200xf32, #tpu.memory_space<vmem>>, vector<1x16xf32>,
      %mul3A_800 = arith.constant 16 : i32
      %mul3A_801 = arith.muli %scan3A_776, %mul3A_800 : i32
      %swap3A_802 = arith.constant 3 : i32
      %swap3A_803 = arith.index_cast %swap3A_802 : i32 to index
      %swap3A_804 = arith.index_cast %mul3A_801 : i32 to index
      %swap3A_805 = tpu.vector_load %arg5[%swap3A_803, %swap3A_804] {strides = array<i32>} : memref<8x3200xf32, #tpu.memory_space<vmem>>, vector<1x16xf32>,
      %swap3A_806 = vector.shape_cast %swap3A_805 : vector<1x16xf32> to vector<16xf32>
      %swap3A_807 = vector.shape_cast %get3A_55 : vector<16xf32> to vector<1x16xf32>
      tpu.vector_store %arg5[%swap3A_803, %swap3A_804], %swap3A_807 {strides = array<i32>} : memref<8x3200xf32, #tpu.memory_space<vmem>>, vector<1x16xf32>,
      %mul3A_808 = arith.constant 16 : i32
      %mul3A_809 = arith.muli %scan3A_776, %mul3A_808 : i32
      %swap3A_810 = arith.constant 4 : i32
      %swap3A_811 = arith.index_cast %swap3A_810 : i32 to index
      %swap3A_812 = arith.index_cast %mul3A_809 : i32 to index
      %swap3A_813 = tpu.vector_load %arg5[%swap3A_811, %swap3A_812] {strides = array<i32>} : memref<8x3200xf32, #tpu.memory_space<vmem>>, vector<1x16xf32>,
      %swap3A_814 = vector.shape_cast %swap3A_813 : vector<1x16xf32> to vector<16xf32>
      %swap3A_815 = vector.shape_cast %get3A_61 : vector<16xf32> to vector<1x16xf32>
      tpu.vector_store %arg5[%swap3A_811, %swap3A_812], %swap3A_815 {strides = array<i32>} : memref<8x3200xf32, #tpu.memory_space<vmem>>, vector<1x16xf32>,
      %mul3A_816 = arith.constant 16 : i32
      %mul3A_817 = arith.muli %scan3A_776, %mul3A_816 : i32
      %swap3A_818 = arith.constant 5 : i32
      %swap3A_819 = arith.index_cast %swap3A_818 : i32 to index
      %swap3A_820 = arith.index_cast %mul3A_817 : i32 to index
      %swap3A_821 = tpu.vector_load %arg5[%swap3A_819, %swap3A_820] {strides = array<i32>} : memref<8x3200xf32, #tpu.memory_space<vmem>>, vector<1x16xf32>,
      %swap3A_822 = vector.shape_cast %swap3A_821 : vector<1x16xf32> to vector<16xf32>
      %swap3A_823 = vector.shape_cast %get3A_67 : vector<16xf32> to vector<1x16xf32>
      tpu.vector_store %arg5[%swap3A_819, %swap3A_820], %swap3A_823 {strides = array<i32>} : memref<8x3200xf32, #tpu.memory_space<vmem>>, vector<1x16xf32>,
      %mul3A_824 = arith.constant 16 : i32
      %mul3A_825 = arith.muli %scan3A_776, %mul3A_824 : i32
      %swap3A_826 = arith.constant 6 : i32
      %swap3A_827 = arith.index_cast %swap3A_826 : i32 to index
      %swap3A_828 = arith.index_cast %mul3A_825 : i32 to index
      %swap3A_829 = tpu.vector_load %arg5[%swap3A_827, %swap3A_828] {strides = array<i32>} : memref<8x3200xf32, #tpu.memory_space<vmem>>, vector<1x16xf32>,
      %swap3A_830 = vector.shape_cast %swap3A_829 : vector<1x16xf32> to vector<16xf32>
      %swap3A_831 = vector.shape_cast %get3A_73 : vector<16xf32> to vector<1x16xf32>
      tpu.vector_store %arg5[%swap3A_827, %swap3A_828], %swap3A_831 {strides = array<i32>} : memref<8x3200xf32, #tpu.memory_space<vmem>>, vector<1x16xf32>,
      %mul3A_832 = arith.constant 16 : i32
      %mul3A_833 = arith.muli %scan3A_776, %mul3A_832 : i32
      %swap3A_834 = arith.constant 7 : i32
      %swap3A_835 = arith.index_cast %swap3A_834 : i32 to index
      %swap3A_836 = arith.index_cast %mul3A_833 : i32 to index
      %swap3A_837 = tpu.vector_load %arg5[%swap3A_835, %swap3A_836] {strides = array<i32>} : memref<8x3200xf32, #tpu.memory_space<vmem>>, vector<1x16xf32>,
      %swap3A_838 = vector.shape_cast %swap3A_837 : vector<1x16xf32> to vector<16xf32>
      %swap3A_839 = vector.shape_cast %get3A_79 : vector<16xf32> to vector<1x16xf32>
      tpu.vector_store %arg5[%swap3A_835, %swap3A_836], %swap3A_839 {strides = array<i32>} : memref<8x3200xf32, #tpu.memory_space<vmem>>, vector<1x16xf32>,
    }
    %scan3A_83 = arith.constant 200 : i32
    %mul3A_84 = arith.constant 63 : i32
    %mul3A_85 = arith.muli %select_n3A_32, %mul3A_84 : i32
    %add3A_86 = arith.constant 0 : i32
    %add3A_87 = arith.addi %mul3A_85, %add3A_86 : i32
    %min3A = arith.constant 249 : i32
    %min3A_88 = arith.minsi %add3A_87, %min3A : i32
    %mul3A_89 = arith.constant 3200 : i32
    %mul3A_90 = arith.muli %min3A_88, %mul3A_89 : i32
    %multiple_of3A_91 = tpu.assume_multiple %mul3A_90, 3200 : i32
    %add3A_92 = arith.constant 1 : i32
    %add3A_93 = arith.addi %mul3A_85, %add3A_92 : i32
    %min3A_94 = arith.constant 249 : i32
    %min3A_95 = arith.minsi %add3A_93, %min3A_94 : i32
    %mul3A_96 = arith.constant 3200 : i32
    %mul3A_97 = arith.muli %min3A_95, %mul3A_96 : i32
    %multiple_of3A_98 = tpu.assume_multiple %mul3A_97, 3200 : i32
    %add3A_99 = arith.constant 2 : i32
    %add3A_100 = arith.addi %mul3A_85, %add3A_99 : i32
    %min3A_101 = arith.constant 249 : i32
    %min3A_102 = arith.minsi %add3A_100, %min3A_101 : i32
    %mul3A_103 = arith.constant 3200 : i32
    %mul3A_104 = arith.muli %min3A_102, %mul3A_103 : i32
    %multiple_of3A_105 = tpu.assume_multiple %mul3A_104, 3200 : i32
    %add3A_106 = arith.constant 3 : i32
    %add3A_107 = arith.addi %mul3A_85, %add3A_106 : i32
    %min3A_108 = arith.constant 249 : i32
    %min3A_109 = arith.minsi %add3A_107, %min3A_108 : i32
    %mul3A_110 = arith.constant 3200 : i32
    %mul3A_111 = arith.muli %min3A_109, %mul3A_110 : i32
    %multiple_of3A_112 = tpu.assume_multiple %mul3A_111, 3200 : i32
    %add3A_113 = arith.constant 4 : i32
    %add3A_114 = arith.addi %mul3A_85, %add3A_113 : i32
    %min3A_115 = arith.constant 249 : i32
    %min3A_116 = arith.minsi %add3A_114, %min3A_115 : i32
    %mul3A_117 = arith.constant 3200 : i32
    %mul3A_118 = arith.muli %min3A_116, %mul3A_117 : i32
    %multiple_of3A_119 = tpu.assume_multiple %mul3A_118, 3200 : i32
    %add3A_120 = arith.constant 5 : i32
    %add3A_121 = arith.addi %mul3A_85, %add3A_120 : i32
    %min3A_122 = arith.constant 249 : i32
    %min3A_123 = arith.minsi %add3A_121, %min3A_122 : i32
    %mul3A_124 = arith.constant 3200 : i32
    %mul3A_125 = arith.muli %min3A_123, %mul3A_124 : i32
    %multiple_of3A_126 = tpu.assume_multiple %mul3A_125, 3200 : i32
    %add3A_127 = arith.constant 6 : i32
    %add3A_128 = arith.addi %mul3A_85, %add3A_127 : i32
    %min3A_129 = arith.constant 249 : i32
    %min3A_130 = arith.minsi %add3A_128, %min3A_129 : i32
    %mul3A_131 = arith.constant 3200 : i32
    %mul3A_132 = arith.muli %min3A_130, %mul3A_131 : i32
    %multiple_of3A_133 = tpu.assume_multiple %mul3A_132, 3200 : i32
    %add3A_134 = arith.constant 7 : i32
    %add3A_135 = arith.addi %mul3A_85, %add3A_134 : i32
    %min3A_136 = arith.constant 249 : i32
    %min3A_137 = arith.minsi %add3A_135, %min3A_136 : i32
    %mul3A_138 = arith.constant 3200 : i32
    %mul3A_139 = arith.muli %min3A_137, %mul3A_138 : i32
    %multiple_of3A_140 = tpu.assume_multiple %mul3A_139, 3200 : i32
    %add3A_141 = arith.constant 8 : i32
    %add3A_142 = arith.addi %mul3A_85, %add3A_141 : i32
    %min3A_143 = arith.constant 249 : i32
    %min3A_144 = arith.minsi %add3A_142, %min3A_143 : i32
    %mul3A_145 = arith.constant 3200 : i32
    %mul3A_146 = arith.muli %min3A_144, %mul3A_145 : i32
    %multiple_of3A_147 = tpu.assume_multiple %mul3A_146, 3200 : i32
    %add3A_148 = arith.constant 9 : i32
    %add3A_149 = arith.addi %mul3A_85, %add3A_148 : i32
    %min3A_150 = arith.constant 249 : i32
    %min3A_151 = arith.minsi %add3A_149, %min3A_150 : i32
    %mul3A_152 = arith.constant 3200 : i32
    %mul3A_153 = arith.muli %min3A_151, %mul3A_152 : i32
    %multiple_of3A_154 = tpu.assume_multiple %mul3A_153, 3200 : i32
    %add3A_155 = arith.constant 10 : i32
    %add3A_156 = arith.addi %mul3A_85, %add3A_155 : i32
    %min3A_157 = arith.constant 249 : i32
    %min3A_158 = arith.minsi %add3A_156, %min3A_157 : i32
    %mul3A_159 = arith.constant 3200 : i32
    %mul3A_160 = arith.muli %min3A_158, %mul3A_159 : i32
    %multiple_of3A_161 = tpu.assume_multiple %mul3A_160, 3200 : i32
    %add3A_162 = arith.constant 11 : i32
    %add3A_163 = arith.addi %mul3A_85, %add3A_162 : i32
    %min3A_164 = arith.constant 249 : i32
    %min3A_165 = arith.minsi %add3A_163, %min3A_164 : i32
    %mul3A_166 = arith.constant 3200 : i32
    %mul3A_167 = arith.muli %min3A_165, %mul3A_166 : i32
    %multiple_of3A_168 = tpu.assume_multiple %mul3A_167, 3200 : i32
    %add3A_169 = arith.constant 12 : i32
    %add3A_170 = arith.addi %mul3A_85, %add3A_169 : i32
    %min3A_171 = arith.constant 249 : i32
    %min3A_172 = arith.minsi %add3A_170, %min3A_171 : i32
    %mul3A_173 = arith.constant 3200 : i32
    %mul3A_174 = arith.muli %min3A_172, %mul3A_173 : i32
    %multiple_of3A_175 = tpu.assume_multiple %mul3A_174, 3200 : i32
    %add3A_176 = arith.constant 13 : i32
    %add3A_177 = arith.addi %mul3A_85, %add3A_176 : i32
    %min3A_178 = arith.constant 249 : i32
    %min3A_179 = arith.minsi %add3A_177, %min3A_178 : i32
    %mul3A_180 = arith.constant 3200 : i32
    %mul3A_181 = arith.muli %min3A_179, %mul3A_180 : i32
    %multiple_of3A_182 = tpu.assume_multiple %mul3A_181, 3200 : i32
    %add3A_183 = arith.constant 14 : i32
    %add3A_184 = arith.addi %mul3A_85, %add3A_183 : i32
    %min3A_185 = arith.constant 249 : i32
    %min3A_186 = arith.minsi %add3A_184, %min3A_185 : i32
    %mul3A_187 = arith.constant 3200 : i32
    %mul3A_188 = arith.muli %min3A_186, %mul3A_187 : i32
    %multiple_of3A_189 = tpu.assume_multiple %mul3A_188, 3200 : i32
    %add3A_190 = arith.constant 15 : i32
    %add3A_191 = arith.addi %mul3A_85, %add3A_190 : i32
    %min3A_192 = arith.constant 249 : i32
    %min3A_193 = arith.minsi %add3A_191, %min3A_192 : i32
    %mul3A_194 = arith.constant 3200 : i32
    %mul3A_195 = arith.muli %min3A_193, %mul3A_194 : i32
    %multiple_of3A_196 = tpu.assume_multiple %mul3A_195, 3200 : i32
    %add3A_197 = arith.constant 16 : i32
    %add3A_198 = arith.addi %mul3A_85, %add3A_197 : i32
    %min3A_199 = arith.constant 249 : i32
    %min3A_200 = arith.minsi %add3A_198, %min3A_199 : i32
    %mul3A_201 = arith.constant 3200 : i32
    %mul3A_202 = arith.muli %min3A_200, %mul3A_201 : i32
    %multiple_of3A_203 = tpu.assume_multiple %mul3A_202, 3200 : i32
    %add3A_204 = arith.constant 17 : i32
    %add3A_205 = arith.addi %mul3A_85, %add3A_204 : i32
    %min3A_206 = arith.constant 249 : i32
    %min3A_207 = arith.minsi %add3A_205, %min3A_206 : i32
    %mul3A_208 = arith.constant 3200 : i32
    %mul3A_209 = arith.muli %min3A_207, %mul3A_208 : i32
    %multiple_of3A_210 = tpu.assume_multiple %mul3A_209, 3200 : i32
    %add3A_211 = arith.constant 18 : i32
    %add3A_212 = arith.addi %mul3A_85, %add3A_211 : i32
    %min3A_213 = arith.constant 249 : i32
    %min3A_214 = arith.minsi %add3A_212, %min3A_213 : i32
    %mul3A_215 = arith.constant 3200 : i32
    %mul3A_216 = arith.muli %min3A_214, %mul3A_215 : i32
    %multiple_of3A_217 = tpu.assume_multiple %mul3A_216, 3200 : i32
    %add3A_218 = arith.constant 19 : i32
    %add3A_219 = arith.addi %mul3A_85, %add3A_218 : i32
    %min3A_220 = arith.constant 249 : i32
    %min3A_221 = arith.minsi %add3A_219, %min3A_220 : i32
    %mul3A_222 = arith.constant 3200 : i32
    %mul3A_223 = arith.muli %min3A_221, %mul3A_222 : i32
    %multiple_of3A_224 = tpu.assume_multiple %mul3A_223, 3200 : i32
    %add3A_225 = arith.constant 20 : i32
    %add3A_226 = arith.addi %mul3A_85, %add3A_225 : i32
    %min3A_227 = arith.constant 249 : i32
    %min3A_228 = arith.minsi %add3A_226, %min3A_227 : i32
    %mul3A_229 = arith.constant 3200 : i32
    %mul3A_230 = arith.muli %min3A_228, %mul3A_229 : i32
    %multiple_of3A_231 = tpu.assume_multiple %mul3A_230, 3200 : i32
    %add3A_232 = arith.constant 21 : i32
    %add3A_233 = arith.addi %mul3A_85, %add3A_232 : i32
    %min3A_234 = arith.constant 249 : i32
    %min3A_235 = arith.minsi %add3A_233, %min3A_234 : i32
    %mul3A_236 = arith.constant 3200 : i32
    %mul3A_237 = arith.muli %min3A_235, %mul3A_236 : i32
    %multiple_of3A_238 = tpu.assume_multiple %mul3A_237, 3200 : i32
    %add3A_239 = arith.constant 22 : i32
    %add3A_240 = arith.addi %mul3A_85, %add3A_239 : i32
    %min3A_241 = arith.constant 249 : i32
    %min3A_242 = arith.minsi %add3A_240, %min3A_241 : i32
    %mul3A_243 = arith.constant 3200 : i32
    %mul3A_244 = arith.muli %min3A_242, %mul3A_243 : i32
    %multiple_of3A_245 = tpu.assume_multiple %mul3A_244, 3200 : i32
    %add3A_246 = arith.constant 23 : i32
    %add3A_247 = arith.addi %mul3A_85, %add3A_246 : i32
    %min3A_248 = arith.constant 249 : i32
    %min3A_249 = arith.minsi %add3A_247, %min3A_248 : i32
    %mul3A_250 = arith.constant 3200 : i32
    %mul3A_251 = arith.muli %min3A_249, %mul3A_250 : i32
    %multiple_of3A_252 = tpu.assume_multiple %mul3A_251, 3200 : i32
    %add3A_253 = arith.constant 24 : i32
    %add3A_254 = arith.addi %mul3A_85, %add3A_253 : i32
    %min3A_255 = arith.constant 249 : i32
    %min3A_256 = arith.minsi %add3A_254, %min3A_255 : i32
    %mul3A_257 = arith.constant 3200 : i32
    %mul3A_258 = arith.muli %min3A_256, %mul3A_257 : i32
    %multiple_of3A_259 = tpu.assume_multiple %mul3A_258, 3200 : i32
    %add3A_260 = arith.constant 25 : i32
    %add3A_261 = arith.addi %mul3A_85, %add3A_260 : i32
    %min3A_262 = arith.constant 249 : i32
    %min3A_263 = arith.minsi %add3A_261, %min3A_262 : i32
    %mul3A_264 = arith.constant 3200 : i32
    %mul3A_265 = arith.muli %min3A_263, %mul3A_264 : i32
    %multiple_of3A_266 = tpu.assume_multiple %mul3A_265, 3200 : i32
    %add3A_267 = arith.constant 26 : i32
    %add3A_268 = arith.addi %mul3A_85, %add3A_267 : i32
    %min3A_269 = arith.constant 249 : i32
    %min3A_270 = arith.minsi %add3A_268, %min3A_269 : i32
    %mul3A_271 = arith.constant 3200 : i32
    %mul3A_272 = arith.muli %min3A_270, %mul3A_271 : i32
    %multiple_of3A_273 = tpu.assume_multiple %mul3A_272, 3200 : i32
    %add3A_274 = arith.constant 27 : i32
    %add3A_275 = arith.addi %mul3A_85, %add3A_274 : i32
    %min3A_276 = arith.constant 249 : i32
    %min3A_277 = arith.minsi %add3A_275, %min3A_276 : i32
    %mul3A_278 = arith.constant 3200 : i32
    %mul3A_279 = arith.muli %min3A_277, %mul3A_278 : i32
    %multiple_of3A_280 = tpu.assume_multiple %mul3A_279, 3200 : i32
    %add3A_281 = arith.constant 28 : i32
    %add3A_282 = arith.addi %mul3A_85, %add3A_281 : i32
    %min3A_283 = arith.constant 249 : i32
    %min3A_284 = arith.minsi %add3A_282, %min3A_283 : i32
    %mul3A_285 = arith.constant 3200 : i32
    %mul3A_286 = arith.muli %min3A_284, %mul3A_285 : i32
    %multiple_of3A_287 = tpu.assume_multiple %mul3A_286, 3200 : i32
    %add3A_288 = arith.constant 29 : i32
    %add3A_289 = arith.addi %mul3A_85, %add3A_288 : i32
    %min3A_290 = arith.constant 249 : i32
    %min3A_291 = arith.minsi %add3A_289, %min3A_290 : i32
    %mul3A_292 = arith.constant 3200 : i32
    %mul3A_293 = arith.muli %min3A_291, %mul3A_292 : i32
    %multiple_of3A_294 = tpu.assume_multiple %mul3A_293, 3200 : i32
    %add3A_295 = arith.constant 30 : i32
    %add3A_296 = arith.addi %mul3A_85, %add3A_295 : i32
    %min3A_297 = arith.constant 249 : i32
    %min3A_298 = arith.minsi %add3A_296, %min3A_297 : i32
    %mul3A_299 = arith.constant 3200 : i32
    %mul3A_300 = arith.muli %min3A_298, %mul3A_299 : i32
    %multiple_of3A_301 = tpu.assume_multiple %mul3A_300, 3200 : i32
    %add3A_302 = arith.constant 31 : i32
    %add3A_303 = arith.addi %mul3A_85, %add3A_302 : i32
    %min3A_304 = arith.constant 249 : i32
    %min3A_305 = arith.minsi %add3A_303, %min3A_304 : i32
    %mul3A_306 = arith.constant 3200 : i32
    %mul3A_307 = arith.muli %min3A_305, %mul3A_306 : i32
    %multiple_of3A_308 = tpu.assume_multiple %mul3A_307, 3200 : i32
    %add3A_309 = arith.constant 32 : i32
    %add3A_310 = arith.addi %mul3A_85, %add3A_309 : i32
    %min3A_311 = arith.constant 249 : i32
    %min3A_312 = arith.minsi %add3A_310, %min3A_311 : i32
    %mul3A_313 = arith.constant 3200 : i32
    %mul3A_314 = arith.muli %min3A_312, %mul3A_313 : i32
    %multiple_of3A_315 = tpu.assume_multiple %mul3A_314, 3200 : i32
    %add3A_316 = arith.constant 33 : i32
    %add3A_317 = arith.addi %mul3A_85, %add3A_316 : i32
    %min3A_318 = arith.constant 249 : i32
    %min3A_319 = arith.minsi %add3A_317, %min3A_318 : i32
    %mul3A_320 = arith.constant 3200 : i32
    %mul3A_321 = arith.muli %min3A_319, %mul3A_320 : i32
    %multiple_of3A_322 = tpu.assume_multiple %mul3A_321, 3200 : i32
    %add3A_323 = arith.constant 34 : i32
    %add3A_324 = arith.addi %mul3A_85, %add3A_323 : i32
    %min3A_325 = arith.constant 249 : i32
    %min3A_326 = arith.minsi %add3A_324, %min3A_325 : i32
    %mul3A_327 = arith.constant 3200 : i32
    %mul3A_328 = arith.muli %min3A_326, %mul3A_327 : i32
    %multiple_of3A_329 = tpu.assume_multiple %mul3A_328, 3200 : i32
    %add3A_330 = arith.constant 35 : i32
    %add3A_331 = arith.addi %mul3A_85, %add3A_330 : i32
    %min3A_332 = arith.constant 249 : i32
    %min3A_333 = arith.minsi %add3A_331, %min3A_332 : i32
    %mul3A_334 = arith.constant 3200 : i32
    %mul3A_335 = arith.muli %min3A_333, %mul3A_334 : i32
    %multiple_of3A_336 = tpu.assume_multiple %mul3A_335, 3200 : i32
    %add3A_337 = arith.constant 36 : i32
    %add3A_338 = arith.addi %mul3A_85, %add3A_337 : i32
    %min3A_339 = arith.constant 249 : i32
    %min3A_340 = arith.minsi %add3A_338, %min3A_339 : i32
    %mul3A_341 = arith.constant 3200 : i32
    %mul3A_342 = arith.muli %min3A_340, %mul3A_341 : i32
    %multiple_of3A_343 = tpu.assume_multiple %mul3A_342, 3200 : i32
    %add3A_344 = arith.constant 37 : i32
    %add3A_345 = arith.addi %mul3A_85, %add3A_344 : i32
    %min3A_346 = arith.constant 249 : i32
    %min3A_347 = arith.minsi %add3A_345, %min3A_346 : i32
    %mul3A_348 = arith.constant 3200 : i32
    %mul3A_349 = arith.muli %min3A_347, %mul3A_348 : i32
    %multiple_of3A_350 = tpu.assume_multiple %mul3A_349, 3200 : i32
    %add3A_351 = arith.constant 38 : i32
    %add3A_352 = arith.addi %mul3A_85, %add3A_351 : i32
    %min3A_353 = arith.constant 249 : i32
    %min3A_354 = arith.minsi %add3A_352, %min3A_353 : i32
    %mul3A_355 = arith.constant 3200 : i32
    %mul3A_356 = arith.muli %min3A_354, %mul3A_355 : i32
    %multiple_of3A_357 = tpu.assume_multiple %mul3A_356, 3200 : i32
    %add3A_358 = arith.constant 39 : i32
    %add3A_359 = arith.addi %mul3A_85, %add3A_358 : i32
    %min3A_360 = arith.constant 249 : i32
    %min3A_361 = arith.minsi %add3A_359, %min3A_360 : i32
    %mul3A_362 = arith.constant 3200 : i32
    %mul3A_363 = arith.muli %min3A_361, %mul3A_362 : i32
    %multiple_of3A_364 = tpu.assume_multiple %mul3A_363, 3200 : i32
    %add3A_365 = arith.constant 40 : i32
    %add3A_366 = arith.addi %mul3A_85, %add3A_365 : i32
    %min3A_367 = arith.constant 249 : i32
    %min3A_368 = arith.minsi %add3A_366, %min3A_367 : i32
    %mul3A_369 = arith.constant 3200 : i32
    %mul3A_370 = arith.muli %min3A_368, %mul3A_369 : i32
    %multiple_of3A_371 = tpu.assume_multiple %mul3A_370, 3200 : i32
    %add3A_372 = arith.constant 41 : i32
    %add3A_373 = arith.addi %mul3A_85, %add3A_372 : i32
    %min3A_374 = arith.constant 249 : i32
    %min3A_375 = arith.minsi %add3A_373, %min3A_374 : i32
    %mul3A_376 = arith.constant 3200 : i32
    %mul3A_377 = arith.muli %min3A_375, %mul3A_376 : i32
    %multiple_of3A_378 = tpu.assume_multiple %mul3A_377, 3200 : i32
    %add3A_379 = arith.constant 42 : i32
    %add3A_380 = arith.addi %mul3A_85, %add3A_379 : i32
    %min3A_381 = arith.constant 249 : i32
    %min3A_382 = arith.minsi %add3A_380, %min3A_381 : i32
    %mul3A_383 = arith.constant 3200 : i32
    %mul3A_384 = arith.muli %min3A_382, %mul3A_383 : i32
    %multiple_of3A_385 = tpu.assume_multiple %mul3A_384, 3200 : i32
    %add3A_386 = arith.constant 43 : i32
    %add3A_387 = arith.addi %mul3A_85, %add3A_386 : i32
    %min3A_388 = arith.constant 249 : i32
    %min3A_389 = arith.minsi %add3A_387, %min3A_388 : i32
    %mul3A_390 = arith.constant 3200 : i32
    %mul3A_391 = arith.muli %min3A_389, %mul3A_390 : i32
    %multiple_of3A_392 = tpu.assume_multiple %mul3A_391, 3200 : i32
    %add3A_393 = arith.constant 44 : i32
    %add3A_394 = arith.addi %mul3A_85, %add3A_393 : i32
    %min3A_395 = arith.constant 249 : i32
    %min3A_396 = arith.minsi %add3A_394, %min3A_395 : i32
    %mul3A_397 = arith.constant 3200 : i32
    %mul3A_398 = arith.muli %min3A_396, %mul3A_397 : i32
    %multiple_of3A_399 = tpu.assume_multiple %mul3A_398, 3200 : i32
    %add3A_400 = arith.constant 45 : i32
    %add3A_401 = arith.addi %mul3A_85, %add3A_400 : i32
    %min3A_402 = arith.constant 249 : i32
    %min3A_403 = arith.minsi %add3A_401, %min3A_402 : i32
    %mul3A_404 = arith.constant 3200 : i32
    %mul3A_405 = arith.muli %min3A_403, %mul3A_404 : i32
    %multiple_of3A_406 = tpu.assume_multiple %mul3A_405, 3200 : i32
    %add3A_407 = arith.constant 46 : i32
    %add3A_408 = arith.addi %mul3A_85, %add3A_407 : i32
    %min3A_409 = arith.constant 249 : i32
    %min3A_410 = arith.minsi %add3A_408, %min3A_409 : i32
    %mul3A_411 = arith.constant 3200 : i32
    %mul3A_412 = arith.muli %min3A_410, %mul3A_411 : i32
    %multiple_of3A_413 = tpu.assume_multiple %mul3A_412, 3200 : i32
    %add3A_414 = arith.constant 47 : i32
    %add3A_415 = arith.addi %mul3A_85, %add3A_414 : i32
    %min3A_416 = arith.constant 249 : i32
    %min3A_417 = arith.minsi %add3A_415, %min3A_416 : i32
    %mul3A_418 = arith.constant 3200 : i32
    %mul3A_419 = arith.muli %min3A_417, %mul3A_418 : i32
    %multiple_of3A_420 = tpu.assume_multiple %mul3A_419, 3200 : i32
    %add3A_421 = arith.constant 48 : i32
    %add3A_422 = arith.addi %mul3A_85, %add3A_421 : i32
    %min3A_423 = arith.constant 249 : i32
    %min3A_424 = arith.minsi %add3A_422, %min3A_423 : i32
    %mul3A_425 = arith.constant 3200 : i32
    %mul3A_426 = arith.muli %min3A_424, %mul3A_425 : i32
    %multiple_of3A_427 = tpu.assume_multiple %mul3A_426, 3200 : i32
    %add3A_428 = arith.constant 49 : i32
    %add3A_429 = arith.addi %mul3A_85, %add3A_428 : i32
    %min3A_430 = arith.constant 249 : i32
    %min3A_431 = arith.minsi %add3A_429, %min3A_430 : i32
    %mul3A_432 = arith.constant 3200 : i32
    %mul3A_433 = arith.muli %min3A_431, %mul3A_432 : i32
    %multiple_of3A_434 = tpu.assume_multiple %mul3A_433, 3200 : i32
    %add3A_435 = arith.constant 50 : i32
    %add3A_436 = arith.addi %mul3A_85, %add3A_435 : i32
    %min3A_437 = arith.constant 249 : i32
    %min3A_438 = arith.minsi %add3A_436, %min3A_437 : i32
    %mul3A_439 = arith.constant 3200 : i32
    %mul3A_440 = arith.muli %min3A_438, %mul3A_439 : i32
    %multiple_of3A_441 = tpu.assume_multiple %mul3A_440, 3200 : i32
    %add3A_442 = arith.constant 51 : i32
    %add3A_443 = arith.addi %mul3A_85, %add3A_442 : i32
    %min3A_444 = arith.constant 249 : i32
    %min3A_445 = arith.minsi %add3A_443, %min3A_444 : i32
    %mul3A_446 = arith.constant 3200 : i32
    %mul3A_447 = arith.muli %min3A_445, %mul3A_446 : i32
    %multiple_of3A_448 = tpu.assume_multiple %mul3A_447, 3200 : i32
    %add3A_449 = arith.constant 52 : i32
    %add3A_450 = arith.addi %mul3A_85, %add3A_449 : i32
    %min3A_451 = arith.constant 249 : i32
    %min3A_452 = arith.minsi %add3A_450, %min3A_451 : i32
    %mul3A_453 = arith.constant 3200 : i32
    %mul3A_454 = arith.muli %min3A_452, %mul3A_453 : i32
    %multiple_of3A_455 = tpu.assume_multiple %mul3A_454, 3200 : i32
    %add3A_456 = arith.constant 53 : i32
    %add3A_457 = arith.addi %mul3A_85, %add3A_456 : i32
    %min3A_458 = arith.constant 249 : i32
    %min3A_459 = arith.minsi %add3A_457, %min3A_458 : i32
    %mul3A_460 = arith.constant 3200 : i32
    %mul3A_461 = arith.muli %min3A_459, %mul3A_460 : i32
    %multiple_of3A_462 = tpu.assume_multiple %mul3A_461, 3200 : i32
    %add3A_463 = arith.constant 54 : i32
    %add3A_464 = arith.addi %mul3A_85, %add3A_463 : i32
    %min3A_465 = arith.constant 249 : i32
    %min3A_466 = arith.minsi %add3A_464, %min3A_465 : i32
    %mul3A_467 = arith.constant 3200 : i32
    %mul3A_468 = arith.muli %min3A_466, %mul3A_467 : i32
    %multiple_of3A_469 = tpu.assume_multiple %mul3A_468, 3200 : i32
    %add3A_470 = arith.constant 55 : i32
    %add3A_471 = arith.addi %mul3A_85, %add3A_470 : i32
    %min3A_472 = arith.constant 249 : i32
    %min3A_473 = arith.minsi %add3A_471, %min3A_472 : i32
    %mul3A_474 = arith.constant 3200 : i32
    %mul3A_475 = arith.muli %min3A_473, %mul3A_474 : i32
    %multiple_of3A_476 = tpu.assume_multiple %mul3A_475, 3200 : i32
    %add3A_477 = arith.constant 56 : i32
    %add3A_478 = arith.addi %mul3A_85, %add3A_477 : i32
    %min3A_479 = arith.constant 249 : i32
    %min3A_480 = arith.minsi %add3A_478, %min3A_479 : i32
    %mul3A_481 = arith.constant 3200 : i32
    %mul3A_482 = arith.muli %min3A_480, %mul3A_481 : i32
    %multiple_of3A_483 = tpu.assume_multiple %mul3A_482, 3200 : i32
    %add3A_484 = arith.constant 57 : i32
    %add3A_485 = arith.addi %mul3A_85, %add3A_484 : i32
    %min3A_486 = arith.constant 249 : i32
    %min3A_487 = arith.minsi %add3A_485, %min3A_486 : i32
    %mul3A_488 = arith.constant 3200 : i32
    %mul3A_489 = arith.muli %min3A_487, %mul3A_488 : i32
    %multiple_of3A_490 = tpu.assume_multiple %mul3A_489, 3200 : i32
    %add3A_491 = arith.constant 58 : i32
    %add3A_492 = arith.addi %mul3A_85, %add3A_491 : i32
    %min3A_493 = arith.constant 249 : i32
    %min3A_494 = arith.minsi %add3A_492, %min3A_493 : i32
    %mul3A_495 = arith.constant 3200 : i32
    %mul3A_496 = arith.muli %min3A_494, %mul3A_495 : i32
    %multiple_of3A_497 = tpu.assume_multiple %mul3A_496, 3200 : i32
    %add3A_498 = arith.constant 59 : i32
    %add3A_499 = arith.addi %mul3A_85, %add3A_498 : i32
    %min3A_500 = arith.constant 249 : i32
    %min3A_501 = arith.minsi %add3A_499, %min3A_500 : i32
    %mul3A_502 = arith.constant 3200 : i32
    %mul3A_503 = arith.muli %min3A_501, %mul3A_502 : i32
    %multiple_of3A_504 = tpu.assume_multiple %mul3A_503, 3200 : i32
    %add3A_505 = arith.constant 60 : i32
    %add3A_506 = arith.addi %mul3A_85, %add3A_505 : i32
    %min3A_507 = arith.constant 249 : i32
    %min3A_508 = arith.minsi %add3A_506, %min3A_507 : i32
    %mul3A_509 = arith.constant 3200 : i32
    %mul3A_510 = arith.muli %min3A_508, %mul3A_509 : i32
    %multiple_of3A_511 = tpu.assume_multiple %mul3A_510, 3200 : i32
    %add3A_512 = arith.constant 61 : i32
    %add3A_513 = arith.addi %mul3A_85, %add3A_512 : i32
    %min3A_514 = arith.constant 249 : i32
    %min3A_515 = arith.minsi %add3A_513, %min3A_514 : i32
    %mul3A_516 = arith.constant 3200 : i32
    %mul3A_517 = arith.muli %min3A_515, %mul3A_516 : i32
    %multiple_of3A_518 = tpu.assume_multiple %mul3A_517, 3200 : i32
    %add3A_519 = arith.constant 62 : i32
    %add3A_520 = arith.addi %mul3A_85, %add3A_519 : i32
    %min3A_521 = arith.constant 249 : i32
    %min3A_522 = arith.minsi %add3A_520, %min3A_521 : i32
    %mul3A_523 = arith.constant 3200 : i32
    %mul3A_524 = arith.muli %min3A_522, %mul3A_523 : i32
    %multiple_of3A_525 = tpu.assume_multiple %mul3A_524, 3200 : i32
    %dma_start3A = tpu.memref_slice %arg3[%multiple_of3A, %multiple_of3A_91] : memref<64x800000xf32, #tpu.memory_space<hbm>> -> memref<8x3200xf32, #tpu.memory_space<hbm>>
    %dma_start3A_526 = tpu.memref_slice %arg3[%multiple_of3A, %multiple_of3A_91] : memref<64x800000xf32, #tpu.memory_space<hbm>> -> memref<8x3200xf32, #tpu.memory_space<hbm>>
    tpu.enqueue_dma source(%arg5 : memref<8x3200xf32, #tpu.memory_space<vmem>>) target(%dma_start3A_526 : memref<8x3200xf32, #tpu.memory_space<hbm>>) target_semaphore(%arg6 : memref<!tpu.dma_semaphore, #tpu.memory_space<semaphore_mem>>)
    %dma_start3A_527 = tpu.memref_slice %arg3[%multiple_of3A, %multiple_of3A_98] : memref<64x800000xf32, #tpu.memory_space<hbm>> -> memref<8x3200xf32, #tpu.memory_space<hbm>>
    %dma_start3A_528 = tpu.memref_slice %arg3[%multiple_of3A, %multiple_of3A_98] : memref<64x800000xf32, #tpu.memory_space<hbm>> -> memref<8x3200xf32, #tpu.memory_space<hbm>>
    tpu.enqueue_dma source(%arg5 : memref<8x3200xf32, #tpu.memory_space<vmem>>) target(%dma_start3A_528 : memref<8x3200xf32, #tpu.memory_space<hbm>>) target_semaphore(%arg6 : memref<!tpu.dma_semaphore, #tpu.memory_space<semaphore_mem>>)
    %dma_start3A_529 = tpu.memref_slice %arg3[%multiple_of3A, %multiple_of3A_105] : memref<64x800000xf32, #tpu.memory_space<hbm>> -> memref<8x3200xf32, #tpu.memory_space<hbm>>
    %dma_start3A_530 = tpu.memref_slice %arg3[%multiple_of3A, %multiple_of3A_105] : memref<64x800000xf32, #tpu.memory_space<hbm>> -> memref<8x3200xf32, #tpu.memory_space<hbm>>
    tpu.enqueue_dma source(%arg5 : memref<8x3200xf32, #tpu.memory_space<vmem>>) target(%dma_start3A_530 : memref<8x3200xf32, #tpu.memory_space<hbm>>) target_semaphore(%arg6 : memref<!tpu.dma_semaphore, #tpu.memory_space<semaphore_mem>>)
    %dma_start3A_531 = tpu.memref_slice %arg3[%multiple_of3A, %multiple_of3A_112] : memref<64x800000xf32, #tpu.memory_space<hbm>> -> memref<8x3200xf32, #tpu.memory_space<hbm>>
    %dma_start3A_532 = tpu.memref_slice %arg3[%multiple_of3A, %multiple_of3A_112] : memref<64x800000xf32, #tpu.memory_space<hbm>> -> memref<8x3200xf32, #tpu.memory_space<hbm>>
    tpu.enqueue_dma source(%arg5 : memref<8x3200xf32, #tpu.memory_space<vmem>>) target(%dma_start3A_532 : memref<8x3200xf32, #tpu.memory_space<hbm>>) target_semaphore(%arg6 : memref<!tpu.dma_semaphore, #tpu.memory_space<semaphore_mem>>)
    %dma_start3A_533 = tpu.memref_slice %arg3[%multiple_of3A, %multiple_of3A_119] : memref<64x800000xf32, #tpu.memory_space<hbm>> -> memref<8x3200xf32, #tpu.memory_space<hbm>>
    %dma_start3A_534 = tpu.memref_slice %arg3[%multiple_of3A, %multiple_of3A_119] : memref<64x800000xf32, #tpu.memory_space<hbm>> -> memref<8x3200xf32, #tpu.memory_space<hbm>>
    tpu.enqueue_dma source(%arg5 : memref<8x3200xf32, #tpu.memory_space<vmem>>) target(%dma_start3A_534 : memref<8x3200xf32, #tpu.memory_space<hbm>>) target_semaphore(%arg6 : memref<!tpu.dma_semaphore, #tpu.memory_space<semaphore_mem>>)
    %dma_start3A_535 = tpu.memref_slice %arg3[%multiple_of3A, %multiple_of3A_126] : memref<64x800000xf32, #tpu.memory_space<hbm>> -> memref<8x3200xf32, #tpu.memory_space<hbm>>
    %dma_start3A_536 = tpu.memref_slice %arg3[%multiple_of3A, %multiple_of3A_126] : memref<64x800000xf32, #tpu.memory_space<hbm>> -> memref<8x3200xf32, #tpu.memory_space<hbm>>
    tpu.enqueue_dma source(%arg5 : memref<8x3200xf32, #tpu.memory_space<vmem>>) target(%dma_start3A_536 : memref<8x3200xf32, #tpu.memory_space<hbm>>) target_semaphore(%arg6 : memref<!tpu.dma_semaphore, #tpu.memory_space<semaphore_mem>>)
    %dma_start3A_537 = tpu.memref_slice %arg3[%multiple_of3A, %multiple_of3A_133] : memref<64x800000xf32, #tpu.memory_space<hbm>> -> memref<8x3200xf32, #tpu.memory_space<hbm>>
    %dma_start3A_538 = tpu.memref_slice %arg3[%multiple_of3A, %multiple_of3A_133] : memref<64x800000xf32, #tpu.memory_space<hbm>> -> memref<8x3200xf32, #tpu.memory_space<hbm>>
    tpu.enqueue_dma source(%arg5 : memref<8x3200xf32, #tpu.memory_space<vmem>>) target(%dma_start3A_538 : memref<8x3200xf32, #tpu.memory_space<hbm>>) target_semaphore(%arg6 : memref<!tpu.dma_semaphore, #tpu.memory_space<semaphore_mem>>)
    %dma_start3A_539 = tpu.memref_slice %arg3[%multiple_of3A, %multiple_of3A_140] : memref<64x800000xf32, #tpu.memory_space<hbm>> -> memref<8x3200xf32, #tpu.memory_space<hbm>>
    %dma_start3A_540 = tpu.memref_slice %arg3[%multiple_of3A, %multiple_of3A_140] : memref<64x800000xf32, #tpu.memory_space<hbm>> -> memref<8x3200xf32, #tpu.memory_space<hbm>>
    tpu.enqueue_dma source(%arg5 : memref<8x3200xf32, #tpu.memory_space<vmem>>) target(%dma_start3A_540 : memref<8x3200xf32, #tpu.memory_space<hbm>>) target_semaphore(%arg6 : memref<!tpu.dma_semaphore, #tpu.memory_space<semaphore_mem>>)
    %dma_start3A_541 = tpu.memref_slice %arg3[%multiple_of3A, %multiple_of3A_147] : memref<64x800000xf32, #tpu.memory_space<hbm>> -> memref<8x3200xf32, #tpu.memory_space<hbm>>
    %dma_start3A_542 = tpu.memref_slice %arg3[%multiple_of3A, %multiple_of3A_147] : memref<64x800000xf32, #tpu.memory_space<hbm>> -> memref<8x3200xf32, #tpu.memory_space<hbm>>
    tpu.enqueue_dma source(%arg5 : memref<8x3200xf32, #tpu.memory_space<vmem>>) target(%dma_start3A_542 : memref<8x3200xf32, #tpu.memory_space<hbm>>) target_semaphore(%arg6 : memref<!tpu.dma_semaphore, #tpu.memory_space<semaphore_mem>>)
    %dma_start3A_543 = tpu.memref_slice %arg3[%multiple_of3A, %multiple_of3A_154] : memref<64x800000xf32, #tpu.memory_space<hbm>> -> memref<8x3200xf32, #tpu.memory_space<hbm>>
    %dma_start3A_544 = tpu.memref_slice %arg3[%multiple_of3A, %multiple_of3A_154] : memref<64x800000xf32, #tpu.memory_space<hbm>> -> memref<8x3200xf32, #tpu.memory_space<hbm>>
    tpu.enqueue_dma source(%arg5 : memref<8x3200xf32, #tpu.memory_space<vmem>>) target(%dma_start3A_544 : memref<8x3200xf32, #tpu.memory_space<hbm>>) target_semaphore(%arg6 : memref<!tpu.dma_semaphore, #tpu.memory_space<semaphore_mem>>)
    %dma_start3A_545 = tpu.memref_slice %arg3[%multiple_of3A, %multiple_of3A_161] : memref<64x800000xf32, #tpu.memory_space<hbm>> -> memref<8x3200xf32, #tpu.memory_space<hbm>>
    %dma_start3A_546 = tpu.memref_slice %arg3[%multiple_of3A, %multiple_of3A_161] : memref<64x800000xf32, #tpu.memory_space<hbm>> -> memref<8x3200xf32, #tpu.memory_space<hbm>>
    tpu.enqueue_dma source(%arg5 : memref<8x3200xf32, #tpu.memory_space<vmem>>) target(%dma_start3A_546 : memref<8x3200xf32, #tpu.memory_space<hbm>>) target_semaphore(%arg6 : memref<!tpu.dma_semaphore, #tpu.memory_space<semaphore_mem>>)
    %dma_start3A_547 = tpu.memref_slice %arg3[%multiple_of3A, %multiple_of3A_168] : memref<64x800000xf32, #tpu.memory_space<hbm>> -> memref<8x3200xf32, #tpu.memory_space<hbm>>
    %dma_start3A_548 = tpu.memref_slice %arg3[%multiple_of3A, %multiple_of3A_168] : memref<64x800000xf32, #tpu.memory_space<hbm>> -> memref<8x3200xf32, #tpu.memory_space<hbm>>
    tpu.enqueue_dma source(%arg5 : memref<8x3200xf32, #tpu.memory_space<vmem>>) target(%dma_start3A_548 : memref<8x3200xf32, #tpu.memory_space<hbm>>) target_semaphore(%arg6 : memref<!tpu.dma_semaphore, #tpu.memory_space<semaphore_mem>>)
    %dma_start3A_549 = tpu.memref_slice %arg3[%multiple_of3A, %multiple_of3A_175] : memref<64x800000xf32, #tpu.memory_space<hbm>> -> memref<8x3200xf32, #tpu.memory_space<hbm>>
    %dma_start3A_550 = tpu.memref_slice %arg3[%multiple_of3A, %multiple_of3A_175] : memref<64x800000xf32, #tpu.memory_space<hbm>> -> memref<8x3200xf32, #tpu.memory_space<hbm>>
    tpu.enqueue_dma source(%arg5 : memref<8x3200xf32, #tpu.memory_space<vmem>>) target(%dma_start3A_550 : memref<8x3200xf32, #tpu.memory_space<hbm>>) target_semaphore(%arg6 : memref<!tpu.dma_semaphore, #tpu.memory_space<semaphore_mem>>)
    %dma_start3A_551 = tpu.memref_slice %arg3[%multiple_of3A, %multiple_of3A_182] : memref<64x800000xf32, #tpu.memory_space<hbm>> -> memref<8x3200xf32, #tpu.memory_space<hbm>>
    %dma_start3A_552 = tpu.memref_slice %arg3[%multiple_of3A, %multiple_of3A_182] : memref<64x800000xf32, #tpu.memory_space<hbm>> -> memref<8x3200xf32, #tpu.memory_space<hbm>>
    tpu.enqueue_dma source(%arg5 : memref<8x3200xf32, #tpu.memory_space<vmem>>) target(%dma_start3A_552 : memref<8x3200xf32, #tpu.memory_space<hbm>>) target_semaphore(%arg6 : memref<!tpu.dma_semaphore, #tpu.memory_space<semaphore_mem>>)
    %dma_start3A_553 = tpu.memref_slice %arg3[%multiple_of3A, %multiple_of3A_189] : memref<64x800000xf32, #tpu.memory_space<hbm>> -> memref<8x3200xf32, #tpu.memory_space<hbm>>
    %dma_start3A_554 = tpu.memref_slice %arg3[%multiple_of3A, %multiple_of3A_189] : memref<64x800000xf32, #tpu.memory_space<hbm>> -> memref<8x3200xf32, #tpu.memory_space<hbm>>
    tpu.enqueue_dma source(%arg5 : memref<8x3200xf32, #tpu.memory_space<vmem>>) target(%dma_start3A_554 : memref<8x3200xf32, #tpu.memory_space<hbm>>) target_semaphore(%arg6 : memref<!tpu.dma_semaphore, #tpu.memory_space<semaphore_mem>>)
    %dma_start3A_555 = tpu.memref_slice %arg3[%multiple_of3A, %multiple_of3A_196] : memref<64x800000xf32, #tpu.memory_space<hbm>> -> memref<8x3200xf32, #tpu.memory_space<hbm>>
    %dma_start3A_556 = tpu.memref_slice %arg3[%multiple_of3A, %multiple_of3A_196] : memref<64x800000xf32, #tpu.memory_space<hbm>> -> memref<8x3200xf32, #tpu.memory_space<hbm>>
    tpu.enqueue_dma source(%arg5 : memref<8x3200xf32, #tpu.memory_space<vmem>>) target(%dma_start3A_556 : memref<8x3200xf32, #tpu.memory_space<hbm>>) target_semaphore(%arg6 : memref<!tpu.dma_semaphore, #tpu.memory_space<semaphore_mem>>)
    %dma_start3A_557 = tpu.memref_slice %arg3[%multiple_of3A, %multiple_of3A_203] : memref<64x800000xf32, #tpu.memory_space<hbm>> -> memref<8x3200xf32, #tpu.memory_space<hbm>>
    %dma_start3A_558 = tpu.memref_slice %arg3[%multiple_of3A, %multiple_of3A_203] : memref<64x800000xf32, #tpu.memory_space<hbm>> -> memref<8x3200xf32, #tpu.memory_space<hbm>>
    tpu.enqueue_dma source(%arg5 : memref<8x3200xf32, #tpu.memory_space<vmem>>) target(%dma_start3A_558 : memref<8x3200xf32, #tpu.memory_space<hbm>>) target_semaphore(%arg6 : memref<!tpu.dma_semaphore, #tpu.memory_space<semaphore_mem>>)
    %dma_start3A_559 = tpu.memref_slice %arg3[%multiple_of3A, %multiple_of3A_210] : memref<64x800000xf32, #tpu.memory_space<hbm>> -> memref<8x3200xf32, #tpu.memory_space<hbm>>
    %dma_start3A_560 = tpu.memref_slice %arg3[%multiple_of3A, %multiple_of3A_210] : memref<64x800000xf32, #tpu.memory_space<hbm>> -> memref<8x3200xf32, #tpu.memory_space<hbm>>
    tpu.enqueue_dma source(%arg5 : memref<8x3200xf32, #tpu.memory_space<vmem>>) target(%dma_start3A_560 : memref<8x3200xf32, #tpu.memory_space<hbm>>) target_semaphore(%arg6 : memref<!tpu.dma_semaphore, #tpu.memory_space<semaphore_mem>>)
    %dma_start3A_561 = tpu.memref_slice %arg3[%multiple_of3A, %multiple_of3A_217] : memref<64x800000xf32, #tpu.memory_space<hbm>> -> memref<8x3200xf32, #tpu.memory_space<hbm>>
    %dma_start3A_562 = tpu.memref_slice %arg3[%multiple_of3A, %multiple_of3A_217] : memref<64x800000xf32, #tpu.memory_space<hbm>> -> memref<8x3200xf32, #tpu.memory_space<hbm>>
    tpu.enqueue_dma source(%arg5 : memref<8x3200xf32, #tpu.memory_space<vmem>>) target(%dma_start3A_562 : memref<8x3200xf32, #tpu.memory_space<hbm>>) target_semaphore(%arg6 : memref<!tpu.dma_semaphore, #tpu.memory_space<semaphore_mem>>)
    %dma_start3A_563 = tpu.memref_slice %arg3[%multiple_of3A, %multiple_of3A_224] : memref<64x800000xf32, #tpu.memory_space<hbm>> -> memref<8x3200xf32, #tpu.memory_space<hbm>>
    %dma_start3A_564 = tpu.memref_slice %arg3[%multiple_of3A, %multiple_of3A_224] : memref<64x800000xf32, #tpu.memory_space<hbm>> -> memref<8x3200xf32, #tpu.memory_space<hbm>>
    tpu.enqueue_dma source(%arg5 : memref<8x3200xf32, #tpu.memory_space<vmem>>) target(%dma_start3A_564 : memref<8x3200xf32, #tpu.memory_space<hbm>>) target_semaphore(%arg6 : memref<!tpu.dma_semaphore, #tpu.memory_space<semaphore_mem>>)
    %dma_start3A_565 = tpu.memref_slice %arg3[%multiple_of3A, %multiple_of3A_231] : memref<64x800000xf32, #tpu.memory_space<hbm>> -> memref<8x3200xf32, #tpu.memory_space<hbm>>
    %dma_start3A_566 = tpu.memref_slice %arg3[%multiple_of3A, %multiple_of3A_231] : memref<64x800000xf32, #tpu.memory_space<hbm>> -> memref<8x3200xf32, #tpu.memory_space<hbm>>
    tpu.enqueue_dma source(%arg5 : memref<8x3200xf32, #tpu.memory_space<vmem>>) target(%dma_start3A_566 : memref<8x3200xf32, #tpu.memory_space<hbm>>) target_semaphore(%arg6 : memref<!tpu.dma_semaphore, #tpu.memory_space<semaphore_mem>>)
    %dma_start3A_567 = tpu.memref_slice %arg3[%multiple_of3A, %multiple_of3A_238] : memref<64x800000xf32, #tpu.memory_space<hbm>> -> memref<8x3200xf32, #tpu.memory_space<hbm>>
    %dma_start3A_568 = tpu.memref_slice %arg3[%multiple_of3A, %multiple_of3A_238] : memref<64x800000xf32, #tpu.memory_space<hbm>> -> memref<8x3200xf32, #tpu.memory_space<hbm>>
    tpu.enqueue_dma source(%arg5 : memref<8x3200xf32, #tpu.memory_space<vmem>>) target(%dma_start3A_568 : memref<8x3200xf32, #tpu.memory_space<hbm>>) target_semaphore(%arg6 : memref<!tpu.dma_semaphore, #tpu.memory_space<semaphore_mem>>)
    %dma_start3A_569 = tpu.memref_slice %arg3[%multiple_of3A, %multiple_of3A_245] : memref<64x800000xf32, #tpu.memory_space<hbm>> -> memref<8x3200xf32, #tpu.memory_space<hbm>>
    %dma_start3A_570 = tpu.memref_slice %arg3[%multiple_of3A, %multiple_of3A_245] : memref<64x800000xf32, #tpu.memory_space<hbm>> -> memref<8x3200xf32, #tpu.memory_space<hbm>>
    tpu.enqueue_dma source(%arg5 : memref<8x3200xf32, #tpu.memory_space<vmem>>) target(%dma_start3A_570 : memref<8x3200xf32, #tpu.memory_space<hbm>>) target_semaphore(%arg6 : memref<!tpu.dma_semaphore, #tpu.memory_space<semaphore_mem>>)
    %dma_start3A_571 = tpu.memref_slice %arg3[%multiple_of3A, %multiple_of3A_252] : memref<64x800000xf32, #tpu.memory_space<hbm>> -> memref<8x3200xf32, #tpu.memory_space<hbm>>
    %dma_start3A_572 = tpu.memref_slice %arg3[%multiple_of3A, %multiple_of3A_252] : memref<64x800000xf32, #tpu.memory_space<hbm>> -> memref<8x3200xf32, #tpu.memory_space<hbm>>
    tpu.enqueue_dma source(%arg5 : memref<8x3200xf32, #tpu.memory_space<vmem>>) target(%dma_start3A_572 : memref<8x3200xf32, #tpu.memory_space<hbm>>) target_semaphore(%arg6 : memref<!tpu.dma_semaphore, #tpu.memory_space<semaphore_mem>>)
    %dma_start3A_573 = tpu.memref_slice %arg3[%multiple_of3A, %multiple_of3A_259] : memref<64x800000xf32, #tpu.memory_space<hbm>> -> memref<8x3200xf32, #tpu.memory_space<hbm>>
    %dma_start3A_574 = tpu.memref_slice %arg3[%multiple_of3A, %multiple_of3A_259] : memref<64x800000xf32, #tpu.memory_space<hbm>> -> memref<8x3200xf32, #tpu.memory_space<hbm>>
    tpu.enqueue_dma source(%arg5 : memref<8x3200xf32, #tpu.memory_space<vmem>>) target(%dma_start3A_574 : memref<8x3200xf32, #tpu.memory_space<hbm>>) target_semaphore(%arg6 : memref<!tpu.dma_semaphore, #tpu.memory_space<semaphore_mem>>)
    %dma_start3A_575 = tpu.memref_slice %arg3[%multiple_of3A, %multiple_of3A_266] : memref<64x800000xf32, #tpu.memory_space<hbm>> -> memref<8x3200xf32, #tpu.memory_space<hbm>>
    %dma_start3A_576 = tpu.memref_slice %arg3[%multiple_of3A, %multiple_of3A_266] : memref<64x800000xf32, #tpu.memory_space<hbm>> -> memref<8x3200xf32, #tpu.memory_space<hbm>>
    tpu.enqueue_dma source(%arg5 : memref<8x3200xf32, #tpu.memory_space<vmem>>) target(%dma_start3A_576 : memref<8x3200xf32, #tpu.memory_space<hbm>>) target_semaphore(%arg6 : memref<!tpu.dma_semaphore, #tpu.memory_space<semaphore_mem>>)
    %dma_start3A_577 = tpu.memref_slice %arg3[%multiple_of3A, %multiple_of3A_273] : memref<64x800000xf32, #tpu.memory_space<hbm>> -> memref<8x3200xf32, #tpu.memory_space<hbm>>
    %dma_start3A_578 = tpu.memref_slice %arg3[%multiple_of3A, %multiple_of3A_273] : memref<64x800000xf32, #tpu.memory_space<hbm>> -> memref<8x3200xf32, #tpu.memory_space<hbm>>
    tpu.enqueue_dma source(%arg5 : memref<8x3200xf32, #tpu.memory_space<vmem>>) target(%dma_start3A_578 : memref<8x3200xf32, #tpu.memory_space<hbm>>) target_semaphore(%arg6 : memref<!tpu.dma_semaphore, #tpu.memory_space<semaphore_mem>>)
    %dma_start3A_579 = tpu.memref_slice %arg3[%multiple_of3A, %multiple_of3A_280] : memref<64x800000xf32, #tpu.memory_space<hbm>> -> memref<8x3200xf32, #tpu.memory_space<hbm>>
    %dma_start3A_580 = tpu.memref_slice %arg3[%multiple_of3A, %multiple_of3A_280] : memref<64x800000xf32, #tpu.memory_space<hbm>> -> memref<8x3200xf32, #tpu.memory_space<hbm>>
    tpu.enqueue_dma source(%arg5 : memref<8x3200xf32, #tpu.memory_space<vmem>>) target(%dma_start3A_580 : memref<8x3200xf32, #tpu.memory_space<hbm>>) target_semaphore(%arg6 : memref<!tpu.dma_semaphore, #tpu.memory_space<semaphore_mem>>)
    %dma_start3A_581 = tpu.memref_slice %arg3[%multiple_of3A, %multiple_of3A_287] : memref<64x800000xf32, #tpu.memory_space<hbm>> -> memref<8x3200xf32, #tpu.memory_space<hbm>>
    %dma_start3A_582 = tpu.memref_slice %arg3[%multiple_of3A, %multiple_of3A_287] : memref<64x800000xf32, #tpu.memory_space<hbm>> -> memref<8x3200xf32, #tpu.memory_space<hbm>>
    tpu.enqueue_dma source(%arg5 : memref<8x3200xf32, #tpu.memory_space<vmem>>) target(%dma_start3A_582 : memref<8x3200xf32, #tpu.memory_space<hbm>>) target_semaphore(%arg6 : memref<!tpu.dma_semaphore, #tpu.memory_space<semaphore_mem>>)
    %dma_start3A_583 = tpu.memref_slice %arg3[%multiple_of3A, %multiple_of3A_294] : memref<64x800000xf32, #tpu.memory_space<hbm>> -> memref<8x3200xf32, #tpu.memory_space<hbm>>
    %dma_start3A_584 = tpu.memref_slice %arg3[%multiple_of3A, %multiple_of3A_294] : memref<64x800000xf32, #tpu.memory_space<hbm>> -> memref<8x3200xf32, #tpu.memory_space<hbm>>
    tpu.enqueue_dma source(%arg5 : memref<8x3200xf32, #tpu.memory_space<vmem>>) target(%dma_start3A_584 : memref<8x3200xf32, #tpu.memory_space<hbm>>) target_semaphore(%arg6 : memref<!tpu.dma_semaphore, #tpu.memory_space<semaphore_mem>>)
    %dma_start3A_585 = tpu.memref_slice %arg3[%multiple_of3A, %multiple_of3A_301] : memref<64x800000xf32, #tpu.memory_space<hbm>> -> memref<8x3200xf32, #tpu.memory_space<hbm>>
    %dma_start3A_586 = tpu.memref_slice %arg3[%multiple_of3A, %multiple_of3A_301] : memref<64x800000xf32, #tpu.memory_space<hbm>> -> memref<8x3200xf32, #tpu.memory_space<hbm>>
    tpu.enqueue_dma source(%arg5 : memref<8x3200xf32, #tpu.memory_space<vmem>>) target(%dma_start3A_586 : memref<8x3200xf32, #tpu.memory_space<hbm>>) target_semaphore(%arg6 : memref<!tpu.dma_semaphore, #tpu.memory_space<semaphore_mem>>)
    %dma_start3A_587 = tpu.memref_slice %arg3[%multiple_of3A, %multiple_of3A_308] : memref<64x800000xf32, #tpu.memory_space<hbm>> -> memref<8x3200xf32, #tpu.memory_space<hbm>>
    %dma_start3A_588 = tpu.memref_slice %arg3[%multiple_of3A, %multiple_of3A_308] : memref<64x800000xf32, #tpu.memory_space<hbm>> -> memref<8x3200xf32, #tpu.memory_space<hbm>>
    tpu.enqueue_dma source(%arg5 : memref<8x3200xf32, #tpu.memory_space<vmem>>) target(%dma_start3A_588 : memref<8x3200xf32, #tpu.memory_space<hbm>>) target_semaphore(%arg6 : memref<!tpu.dma_semaphore, #tpu.memory_space<semaphore_mem>>)
    %dma_start3A_589 = tpu.memref_slice %arg3[%multiple_of3A, %multiple_of3A_315] : memref<64x800000xf32, #tpu.memory_space<hbm>> -> memref<8x3200xf32, #tpu.memory_space<hbm>>
    %dma_start3A_590 = tpu.memref_slice %arg3[%multiple_of3A, %multiple_of3A_315] : memref<64x800000xf32, #tpu.memory_space<hbm>> -> memref<8x3200xf32, #tpu.memory_space<hbm>>
    tpu.enqueue_dma source(%arg5 : memref<8x3200xf32, #tpu.memory_space<vmem>>) target(%dma_start3A_590 : memref<8x3200xf32, #tpu.memory_space<hbm>>) target_semaphore(%arg6 : memref<!tpu.dma_semaphore, #tpu.memory_space<semaphore_mem>>)
    %dma_start3A_591 = tpu.memref_slice %arg3[%multiple_of3A, %multiple_of3A_322] : memref<64x800000xf32, #tpu.memory_space<hbm>> -> memref<8x3200xf32, #tpu.memory_space<hbm>>
    %dma_start3A_592 = tpu.memref_slice %arg3[%multiple_of3A, %multiple_of3A_322] : memref<64x800000xf32, #tpu.memory_space<hbm>> -> memref<8x3200xf32, #tpu.memory_space<hbm>>
    tpu.enqueue_dma source(%arg5 : memref<8x3200xf32, #tpu.memory_space<vmem>>) target(%dma_start3A_592 : memref<8x3200xf32, #tpu.memory_space<hbm>>) target_semaphore(%arg6 : memref<!tpu.dma_semaphore, #tpu.memory_space<semaphore_mem>>)
    %dma_start3A_593 = tpu.memref_slice %arg3[%multiple_of3A, %multiple_of3A_329] : memref<64x800000xf32, #tpu.memory_space<hbm>> -> memref<8x3200xf32, #tpu.memory_space<hbm>>
    %dma_start3A_594 = tpu.memref_slice %arg3[%multiple_of3A, %multiple_of3A_329] : memref<64x800000xf32, #tpu.memory_space<hbm>> -> memref<8x3200xf32, #tpu.memory_space<hbm>>
    tpu.enqueue_dma source(%arg5 : memref<8x3200xf32, #tpu.memory_space<vmem>>) target(%dma_start3A_594 : memref<8x3200xf32, #tpu.memory_space<hbm>>) target_semaphore(%arg6 : memref<!tpu.dma_semaphore, #tpu.memory_space<semaphore_mem>>)
    %dma_start3A_595 = tpu.memref_slice %arg3[%multiple_of3A, %multiple_of3A_336] : memref<64x800000xf32, #tpu.memory_space<hbm>> -> memref<8x3200xf32, #tpu.memory_space<hbm>>
    %dma_start3A_596 = tpu.memref_slice %arg3[%multiple_of3A, %multiple_of3A_336] : memref<64x800000xf32, #tpu.memory_space<hbm>> -> memref<8x3200xf32, #tpu.memory_space<hbm>>
    tpu.enqueue_dma source(%arg5 : memref<8x3200xf32, #tpu.memory_space<vmem>>) target(%dma_start3A_596 : memref<8x3200xf32, #tpu.memory_space<hbm>>) target_semaphore(%arg6 : memref<!tpu.dma_semaphore, #tpu.memory_space<semaphore_mem>>)
    %dma_start3A_597 = tpu.memref_slice %arg3[%multiple_of3A, %multiple_of3A_343] : memref<64x800000xf32, #tpu.memory_space<hbm>> -> memref<8x3200xf32, #tpu.memory_space<hbm>>
    %dma_start3A_598 = tpu.memref_slice %arg3[%multiple_of3A, %multiple_of3A_343] : memref<64x800000xf32, #tpu.memory_space<hbm>> -> memref<8x3200xf32, #tpu.memory_space<hbm>>
    tpu.enqueue_dma source(%arg5 : memref<8x3200xf32, #tpu.memory_space<vmem>>) target(%dma_start3A_598 : memref<8x3200xf32, #tpu.memory_space<hbm>>) target_semaphore(%arg6 : memref<!tpu.dma_semaphore, #tpu.memory_space<semaphore_mem>>)
    %dma_start3A_599 = tpu.memref_slice %arg3[%multiple_of3A, %multiple_of3A_350] : memref<64x800000xf32, #tpu.memory_space<hbm>> -> memref<8x3200xf32, #tpu.memory_space<hbm>>
    %dma_start3A_600 = tpu.memref_slice %arg3[%multiple_of3A, %multiple_of3A_350] : memref<64x800000xf32, #tpu.memory_space<hbm>> -> memref<8x3200xf32, #tpu.memory_space<hbm>>
    tpu.enqueue_dma source(%arg5 : memref<8x3200xf32, #tpu.memory_space<vmem>>) target(%dma_start3A_600 : memref<8x3200xf32, #tpu.memory_space<hbm>>) target_semaphore(%arg6 : memref<!tpu.dma_semaphore, #tpu.memory_space<semaphore_mem>>)
    %dma_start3A_601 = tpu.memref_slice %arg3[%multiple_of3A, %multiple_of3A_357] : memref<64x800000xf32, #tpu.memory_space<hbm>> -> memref<8x3200xf32, #tpu.memory_space<hbm>>
    %dma_start3A_602 = tpu.memref_slice %arg3[%multiple_of3A, %multiple_of3A_357] : memref<64x800000xf32, #tpu.memory_space<hbm>> -> memref<8x3200xf32, #tpu.memory_space<hbm>>
    tpu.enqueue_dma source(%arg5 : memref<8x3200xf32, #tpu.memory_space<vmem>>) target(%dma_start3A_602 : memref<8x3200xf32, #tpu.memory_space<hbm>>) target_semaphore(%arg6 : memref<!tpu.dma_semaphore, #tpu.memory_space<semaphore_mem>>)
    %dma_start3A_603 = tpu.memref_slice %arg3[%multiple_of3A, %multiple_of3A_364] : memref<64x800000xf32, #tpu.memory_space<hbm>> -> memref<8x3200xf32, #tpu.memory_space<hbm>>
    %dma_start3A_604 = tpu.memref_slice %arg3[%multiple_of3A, %multiple_of3A_364] : memref<64x800000xf32, #tpu.memory_space<hbm>> -> memref<8x3200xf32, #tpu.memory_space<hbm>>
    tpu.enqueue_dma source(%arg5 : memref<8x3200xf32, #tpu.memory_space<vmem>>) target(%dma_start3A_604 : memref<8x3200xf32, #tpu.memory_space<hbm>>) target_semaphore(%arg6 : memref<!tpu.dma_semaphore, #tpu.memory_space<semaphore_mem>>)
    %dma_start3A_605 = tpu.memref_slice %arg3[%multiple_of3A, %multiple_of3A_371] : memref<64x800000xf32, #tpu.memory_space<hbm>> -> memref<8x3200xf32, #tpu.memory_space<hbm>>
    %dma_start3A_606 = tpu.memref_slice %arg3[%multiple_of3A, %multiple_of3A_371] : memref<64x800000xf32, #tpu.memory_space<hbm>> -> memref<8x3200xf32, #tpu.memory_space<hbm>>
    tpu.enqueue_dma source(%arg5 : memref<8x3200xf32, #tpu.memory_space<vmem>>) target(%dma_start3A_606 : memref<8x3200xf32, #tpu.memory_space<hbm>>) target_semaphore(%arg6 : memref<!tpu.dma_semaphore, #tpu.memory_space<semaphore_mem>>)
    %dma_start3A_607 = tpu.memref_slice %arg3[%multiple_of3A, %multiple_of3A_378] : memref<64x800000xf32, #tpu.memory_space<hbm>> -> memref<8x3200xf32, #tpu.memory_space<hbm>>
    %dma_start3A_608 = tpu.memref_slice %arg3[%multiple_of3A, %multiple_of3A_378] : memref<64x800000xf32, #tpu.memory_space<hbm>> -> memref<8x3200xf32, #tpu.memory_space<hbm>>
    tpu.enqueue_dma source(%arg5 : memref<8x3200xf32, #tpu.memory_space<vmem>>) target(%dma_start3A_608 : memref<8x3200xf32, #tpu.memory_space<hbm>>) target_semaphore(%arg6 : memref<!tpu.dma_semaphore, #tpu.memory_space<semaphore_mem>>)
    %dma_start3A_609 = tpu.memref_slice %arg3[%multiple_of3A, %multiple_of3A_385] : memref<64x800000xf32, #tpu.memory_space<hbm>> -> memref<8x3200xf32, #tpu.memory_space<hbm>>
    %dma_start3A_610 = tpu.memref_slice %arg3[%multiple_of3A, %multiple_of3A_385] : memref<64x800000xf32, #tpu.memory_space<hbm>> -> memref<8x3200xf32, #tpu.memory_space<hbm>>
    tpu.enqueue_dma source(%arg5 : memref<8x3200xf32, #tpu.memory_space<vmem>>) target(%dma_start3A_610 : memref<8x3200xf32, #tpu.memory_space<hbm>>) target_semaphore(%arg6 : memref<!tpu.dma_semaphore, #tpu.memory_space<semaphore_mem>>)
    %dma_start3A_611 = tpu.memref_slice %arg3[%multiple_of3A, %multiple_of3A_392] : memref<64x800000xf32, #tpu.memory_space<hbm>> -> memref<8x3200xf32, #tpu.memory_space<hbm>>
    %dma_start3A_612 = tpu.memref_slice %arg3[%multiple_of3A, %multiple_of3A_392] : memref<64x800000xf32, #tpu.memory_space<hbm>> -> memref<8x3200xf32, #tpu.memory_space<hbm>>
    tpu.enqueue_dma source(%arg5 : memref<8x3200xf32, #tpu.memory_space<vmem>>) target(%dma_start3A_612 : memref<8x3200xf32, #tpu.memory_space<hbm>>) target_semaphore(%arg6 : memref<!tpu.dma_semaphore, #tpu.memory_space<semaphore_mem>>)
    %dma_start3A_613 = tpu.memref_slice %arg3[%multiple_of3A, %multiple_of3A_399] : memref<64x800000xf32, #tpu.memory_space<hbm>> -> memref<8x3200xf32, #tpu.memory_space<hbm>>
    %dma_start3A_614 = tpu.memref_slice %arg3[%multiple_of3A, %multiple_of3A_399] : memref<64x800000xf32, #tpu.memory_space<hbm>> -> memref<8x3200xf32, #tpu.memory_space<hbm>>
    tpu.enqueue_dma source(%arg5 : memref<8x3200xf32, #tpu.memory_space<vmem>>) target(%dma_start3A_614 : memref<8x3200xf32, #tpu.memory_space<hbm>>) target_semaphore(%arg6 : memref<!tpu.dma_semaphore, #tpu.memory_space<semaphore_mem>>)
    %dma_start3A_615 = tpu.memref_slice %arg3[%multiple_of3A, %multiple_of3A_406] : memref<64x800000xf32, #tpu.memory_space<hbm>> -> memref<8x3200xf32, #tpu.memory_space<hbm>>
    %dma_start3A_616 = tpu.memref_slice %arg3[%multiple_of3A, %multiple_of3A_406] : memref<64x800000xf32, #tpu.memory_space<hbm>> -> memref<8x3200xf32, #tpu.memory_space<hbm>>
    tpu.enqueue_dma source(%arg5 : memref<8x3200xf32, #tpu.memory_space<vmem>>) target(%dma_start3A_616 : memref<8x3200xf32, #tpu.memory_space<hbm>>) target_semaphore(%arg6 : memref<!tpu.dma_semaphore, #tpu.memory_space<semaphore_mem>>)
    %dma_start3A_617 = tpu.memref_slice %arg3[%multiple_of3A, %multiple_of3A_413] : memref<64x800000xf32, #tpu.memory_space<hbm>> -> memref<8x3200xf32, #tpu.memory_space<hbm>>
    %dma_start3A_618 = tpu.memref_slice %arg3[%multiple_of3A, %multiple_of3A_413] : memref<64x800000xf32, #tpu.memory_space<hbm>> -> memref<8x3200xf32, #tpu.memory_space<hbm>>
    tpu.enqueue_dma source(%arg5 : memref<8x3200xf32, #tpu.memory_space<vmem>>) target(%dma_start3A_618 : memref<8x3200xf32, #tpu.memory_space<hbm>>) target_semaphore(%arg6 : memref<!tpu.dma_semaphore, #tpu.memory_space<semaphore_mem>>)
    %dma_start3A_619 = tpu.memref_slice %arg3[%multiple_of3A, %multiple_of3A_420] : memref<64x800000xf32, #tpu.memory_space<hbm>> -> memref<8x3200xf32, #tpu.memory_space<hbm>>
    %dma_start3A_620 = tpu.memref_slice %arg3[%multiple_of3A, %multiple_of3A_420] : memref<64x800000xf32, #tpu.memory_space<hbm>> -> memref<8x3200xf32, #tpu.memory_space<hbm>>
    tpu.enqueue_dma source(%arg5 : memref<8x3200xf32, #tpu.memory_space<vmem>>) target(%dma_start3A_620 : memref<8x3200xf32, #tpu.memory_space<hbm>>) target_semaphore(%arg6 : memref<!tpu.dma_semaphore, #tpu.memory_space<semaphore_mem>>)
    %dma_start3A_621 = tpu.memref_slice %arg3[%multiple_of3A, %multiple_of3A_427] : memref<64x800000xf32, #tpu.memory_space<hbm>> -> memref<8x3200xf32, #tpu.memory_space<hbm>>
    %dma_start3A_622 = tpu.memref_slice %arg3[%multiple_of3A, %multiple_of3A_427] : memref<64x800000xf32, #tpu.memory_space<hbm>> -> memref<8x3200xf32, #tpu.memory_space<hbm>>
    tpu.enqueue_dma source(%arg5 : memref<8x3200xf32, #tpu.memory_space<vmem>>) target(%dma_start3A_622 : memref<8x3200xf32, #tpu.memory_space<hbm>>) target_semaphore(%arg6 : memref<!tpu.dma_semaphore, #tpu.memory_space<semaphore_mem>>)
    %dma_start3A_623 = tpu.memref_slice %arg3[%multiple_of3A, %multiple_of3A_434] : memref<64x800000xf32, #tpu.memory_space<hbm>> -> memref<8x3200xf32, #tpu.memory_space<hbm>>
    %dma_start3A_624 = tpu.memref_slice %arg3[%multiple_of3A, %multiple_of3A_434] : memref<64x800000xf32, #tpu.memory_space<hbm>> -> memref<8x3200xf32, #tpu.memory_space<hbm>>
    tpu.enqueue_dma source(%arg5 : memref<8x3200xf32, #tpu.memory_space<vmem>>) target(%dma_start3A_624 : memref<8x3200xf32, #tpu.memory_space<hbm>>) target_semaphore(%arg6 : memref<!tpu.dma_semaphore, #tpu.memory_space<semaphore_mem>>)
    %dma_start3A_625 = tpu.memref_slice %arg3[%multiple_of3A, %multiple_of3A_441] : memref<64x800000xf32, #tpu.memory_space<hbm>> -> memref<8x3200xf32, #tpu.memory_space<hbm>>
    %dma_start3A_626 = tpu.memref_slice %arg3[%multiple_of3A, %multiple_of3A_441] : memref<64x800000xf32, #tpu.memory_space<hbm>> -> memref<8x3200xf32, #tpu.memory_space<hbm>>
    tpu.enqueue_dma source(%arg5 : memref<8x3200xf32, #tpu.memory_space<vmem>>) target(%dma_start3A_626 : memref<8x3200xf32, #tpu.memory_space<hbm>>) target_semaphore(%arg6 : memref<!tpu.dma_semaphore, #tpu.memory_space<semaphore_mem>>)
    %dma_start3A_627 = tpu.memref_slice %arg3[%multiple_of3A, %multiple_of3A_448] : memref<64x800000xf32, #tpu.memory_space<hbm>> -> memref<8x3200xf32, #tpu.memory_space<hbm>>
    %dma_start3A_628 = tpu.memref_slice %arg3[%multiple_of3A, %multiple_of3A_448] : memref<64x800000xf32, #tpu.memory_space<hbm>> -> memref<8x3200xf32, #tpu.memory_space<hbm>>
    tpu.enqueue_dma source(%arg5 : memref<8x3200xf32, #tpu.memory_space<vmem>>) target(%dma_start3A_628 : memref<8x3200xf32, #tpu.memory_space<hbm>>) target_semaphore(%arg6 : memref<!tpu.dma_semaphore, #tpu.memory_space<semaphore_mem>>)
    %dma_start3A_629 = tpu.memref_slice %arg3[%multiple_of3A, %multiple_of3A_455] : memref<64x800000xf32, #tpu.memory_space<hbm>> -> memref<8x3200xf32, #tpu.memory_space<hbm>>
    %dma_start3A_630 = tpu.memref_slice %arg3[%multiple_of3A, %multiple_of3A_455] : memref<64x800000xf32, #tpu.memory_space<hbm>> -> memref<8x3200xf32, #tpu.memory_space<hbm>>
    tpu.enqueue_dma source(%arg5 : memref<8x3200xf32, #tpu.memory_space<vmem>>) target(%dma_start3A_630 : memref<8x3200xf32, #tpu.memory_space<hbm>>) target_semaphore(%arg6 : memref<!tpu.dma_semaphore, #tpu.memory_space<semaphore_mem>>)
    %dma_start3A_631 = tpu.memref_slice %arg3[%multiple_of3A, %multiple_of3A_462] : memref<64x800000xf32, #tpu.memory_space<hbm>> -> memref<8x3200xf32, #tpu.memory_space<hbm>>
    %dma_start3A_632 = tpu.memref_slice %arg3[%multiple_of3A, %multiple_of3A_462] : memref<64x800000xf32, #tpu.memory_space<hbm>> -> memref<8x3200xf32, #tpu.memory_space<hbm>>
    tpu.enqueue_dma source(%arg5 : memref<8x3200xf32, #tpu.memory_space<vmem>>) target(%dma_start3A_632 : memref<8x3200xf32, #tpu.memory_space<hbm>>) target_semaphore(%arg6 : memref<!tpu.dma_semaphore, #tpu.memory_space<semaphore_mem>>)
    %dma_start3A_633 = tpu.memref_slice %arg3[%multiple_of3A, %multiple_of3A_469] : memref<64x800000xf32, #tpu.memory_space<hbm>> -> memref<8x3200xf32, #tpu.memory_space<hbm>>
    %dma_start3A_634 = tpu.memref_slice %arg3[%multiple_of3A, %multiple_of3A_469] : memref<64x800000xf32, #tpu.memory_space<hbm>> -> memref<8x3200xf32, #tpu.memory_space<hbm>>
    tpu.enqueue_dma source(%arg5 : memref<8x3200xf32, #tpu.memory_space<vmem>>) target(%dma_start3A_634 : memref<8x3200xf32, #tpu.memory_space<hbm>>) target_semaphore(%arg6 : memref<!tpu.dma_semaphore, #tpu.memory_space<semaphore_mem>>)
    %dma_start3A_635 = tpu.memref_slice %arg3[%multiple_of3A, %multiple_of3A_476] : memref<64x800000xf32, #tpu.memory_space<hbm>> -> memref<8x3200xf32, #tpu.memory_space<hbm>>
    %dma_start3A_636 = tpu.memref_slice %arg3[%multiple_of3A, %multiple_of3A_476] : memref<64x800000xf32, #tpu.memory_space<hbm>> -> memref<8x3200xf32, #tpu.memory_space<hbm>>
    tpu.enqueue_dma source(%arg5 : memref<8x3200xf32, #tpu.memory_space<vmem>>) target(%dma_start3A_636 : memref<8x3200xf32, #tpu.memory_space<hbm>>) target_semaphore(%arg6 : memref<!tpu.dma_semaphore, #tpu.memory_space<semaphore_mem>>)
    %dma_start3A_637 = tpu.memref_slice %arg3[%multiple_of3A, %multiple_of3A_483] : memref<64x800000xf32, #tpu.memory_space<hbm>> -> memref<8x3200xf32, #tpu.memory_space<hbm>>
    %dma_start3A_638 = tpu.memref_slice %arg3[%multiple_of3A, %multiple_of3A_483] : memref<64x800000xf32, #tpu.memory_space<hbm>> -> memref<8x3200xf32, #tpu.memory_space<hbm>>
    tpu.enqueue_dma source(%arg5 : memref<8x3200xf32, #tpu.memory_space<vmem>>) target(%dma_start3A_638 : memref<8x3200xf32, #tpu.memory_space<hbm>>) target_semaphore(%arg6 : memref<!tpu.dma_semaphore, #tpu.memory_space<semaphore_mem>>)
    %dma_start3A_639 = tpu.memref_slice %arg3[%multiple_of3A, %multiple_of3A_490] : memref<64x800000xf32, #tpu.memory_space<hbm>> -> memref<8x3200xf32, #tpu.memory_space<hbm>>
    %dma_start3A_640 = tpu.memref_slice %arg3[%multiple_of3A, %multiple_of3A_490] : memref<64x800000xf32, #tpu.memory_space<hbm>> -> memref<8x3200xf32, #tpu.memory_space<hbm>>
    tpu.enqueue_dma source(%arg5 : memref<8x3200xf32, #tpu.memory_space<vmem>>) target(%dma_start3A_640 : memref<8x3200xf32, #tpu.memory_space<hbm>>) target_semaphore(%arg6 : memref<!tpu.dma_semaphore, #tpu.memory_space<semaphore_mem>>)
    %dma_start3A_641 = tpu.memref_slice %arg3[%multiple_of3A, %multiple_of3A_497] : memref<64x800000xf32, #tpu.memory_space<hbm>> -> memref<8x3200xf32, #tpu.memory_space<hbm>>
    %dma_start3A_642 = tpu.memref_slice %arg3[%multiple_of3A, %multiple_of3A_497] : memref<64x800000xf32, #tpu.memory_space<hbm>> -> memref<8x3200xf32, #tpu.memory_space<hbm>>
    tpu.enqueue_dma source(%arg5 : memref<8x3200xf32, #tpu.memory_space<vmem>>) target(%dma_start3A_642 : memref<8x3200xf32, #tpu.memory_space<hbm>>) target_semaphore(%arg6 : memref<!tpu.dma_semaphore, #tpu.memory_space<semaphore_mem>>)
    %dma_start3A_643 = tpu.memref_slice %arg3[%multiple_of3A, %multiple_of3A_504] : memref<64x800000xf32, #tpu.memory_space<hbm>> -> memref<8x3200xf32, #tpu.memory_space<hbm>>
    %dma_start3A_644 = tpu.memref_slice %arg3[%multiple_of3A, %multiple_of3A_504] : memref<64x800000xf32, #tpu.memory_space<hbm>> -> memref<8x3200xf32, #tpu.memory_space<hbm>>
    tpu.enqueue_dma source(%arg5 : memref<8x3200xf32, #tpu.memory_space<vmem>>) target(%dma_start3A_644 : memref<8x3200xf32, #tpu.memory_space<hbm>>) target_semaphore(%arg6 : memref<!tpu.dma_semaphore, #tpu.memory_space<semaphore_mem>>)
    %dma_start3A_645 = tpu.memref_slice %arg3[%multiple_of3A, %multiple_of3A_511] : memref<64x800000xf32, #tpu.memory_space<hbm>> -> memref<8x3200xf32, #tpu.memory_space<hbm>>
    %dma_start3A_646 = tpu.memref_slice %arg3[%multiple_of3A, %multiple_of3A_511] : memref<64x800000xf32, #tpu.memory_space<hbm>> -> memref<8x3200xf32, #tpu.memory_space<hbm>>
    tpu.enqueue_dma source(%arg5 : memref<8x3200xf32, #tpu.memory_space<vmem>>) target(%dma_start3A_646 : memref<8x3200xf32, #tpu.memory_space<hbm>>) target_semaphore(%arg6 : memref<!tpu.dma_semaphore, #tpu.memory_space<semaphore_mem>>)
    %dma_start3A_647 = tpu.memref_slice %arg3[%multiple_of3A, %multiple_of3A_518] : memref<64x800000xf32, #tpu.memory_space<hbm>> -> memref<8x3200xf32, #tpu.memory_space<hbm>>
    %dma_start3A_648 = tpu.memref_slice %arg3[%multiple_of3A, %multiple_of3A_518] : memref<64x800000xf32, #tpu.memory_space<hbm>> -> memref<8x3200xf32, #tpu.memory_space<hbm>>
    tpu.enqueue_dma source(%arg5 : memref<8x3200xf32, #tpu.memory_space<vmem>>) target(%dma_start3A_648 : memref<8x3200xf32, #tpu.memory_space<hbm>>) target_semaphore(%arg6 : memref<!tpu.dma_semaphore, #tpu.memory_space<semaphore_mem>>)
    %dma_start3A_649 = tpu.memref_slice %arg3[%multiple_of3A, %multiple_of3A_525] : memref<64x800000xf32, #tpu.memory_space<hbm>> -> memref<8x3200xf32, #tpu.memory_space<hbm>>
    %dma_start3A_650 = tpu.memref_slice %arg3[%multiple_of3A, %multiple_of3A_525] : memref<64x800000xf32, #tpu.memory_space<hbm>> -> memref<8x3200xf32, #tpu.memory_space<hbm>>
    tpu.enqueue_dma source(%arg5 : memref<8x3200xf32, #tpu.memory_space<vmem>>) target(%dma_start3A_650 : memref<8x3200xf32, #tpu.memory_space<hbm>>) target_semaphore(%arg6 : memref<!tpu.dma_semaphore, #tpu.memory_space<semaphore_mem>>)
    %dma_wait3A = tpu.memref_slice %arg3[%multiple_of3A, %multiple_of3A_91] : memref<64x800000xf32, #tpu.memory_space<hbm>> -> memref<8x3200xf32, #tpu.memory_space<hbm>>
    %dma_wait3A_651 = tpu.memref_slice %arg3[%multiple_of3A, %multiple_of3A_91] : memref<64x800000xf32, #tpu.memory_space<hbm>> -> memref<8x3200xf32, #tpu.memory_space<hbm>>
    tpu.wait_dma2 semaphore(%arg6 : memref<!tpu.dma_semaphore, #tpu.memory_space<semaphore_mem>>) src(%arg5 : memref<8x3200xf32, #tpu.memory_space<vmem>>) dst(%dma_wait3A_651 : memref<8x3200xf32, #tpu.memory_space<hbm>>)
    %dma_wait3A_652 = tpu.memref_slice %arg3[%multiple_of3A, %multiple_of3A_98] : memref<64x800000xf32, #tpu.memory_space<hbm>> -> memref<8x3200xf32, #tpu.memory_space<hbm>>
    %dma_wait3A_653 = tpu.memref_slice %arg3[%multiple_of3A, %multiple_of3A_98] : memref<64x800000xf32, #tpu.memory_space<hbm>> -> memref<8x3200xf32, #tpu.memory_space<hbm>>
    tpu.wait_dma2 semaphore(%arg6 : memref<!tpu.dma_semaphore, #tpu.memory_space<semaphore_mem>>) src(%arg5 : memref<8x3200xf32, #tpu.memory_space<vmem>>) dst(%dma_wait3A_653 : memref<8x3200xf32, #tpu.memory_space<hbm>>)
    %dma_wait3A_654 = tpu.memref_slice %arg3[%multiple_of3A, %multiple_of3A_105] : memref<64x800000xf32, #tpu.memory_space<hbm>> -> memref<8x3200xf32, #tpu.memory_space<hbm>>
    %dma_wait3A_655 = tpu.memref_slice %arg3[%multiple_of3A, %multiple_of3A_105] : memref<64x800000xf32, #tpu.memory_space<hbm>> -> memref<8x3200xf32, #tpu.memory_space<hbm>>
    tpu.wait_dma2 semaphore(%arg6 : memref<!tpu.dma_semaphore, #tpu.memory_space<semaphore_mem>>) src(%arg5 : memref<8x3200xf32, #tpu.memory_space<vmem>>) dst(%dma_wait3A_655 : memref<8x3200xf32, #tpu.memory_space<hbm>>)
    %dma_wait3A_656 = tpu.memref_slice %arg3[%multiple_of3A, %multiple_of3A_112] : memref<64x800000xf32, #tpu.memory_space<hbm>> -> memref<8x3200xf32, #tpu.memory_space<hbm>>
    %dma_wait3A_657 = tpu.memref_slice %arg3[%multiple_of3A, %multiple_of3A_112] : memref<64x800000xf32, #tpu.memory_space<hbm>> -> memref<8x3200xf32, #tpu.memory_space<hbm>>
    tpu.wait_dma2 semaphore(%arg6 : memref<!tpu.dma_semaphore, #tpu.memory_space<semaphore_mem>>) src(%arg5 : memref<8x3200xf32, #tpu.memory_space<vmem>>) dst(%dma_wait3A_657 : memref<8x3200xf32, #tpu.memory_space<hbm>>)
    %dma_wait3A_658 = tpu.memref_slice %arg3[%multiple_of3A, %multiple_of3A_119] : memref<64x800000xf32, #tpu.memory_space<hbm>> -> memref<8x3200xf32, #tpu.memory_space<hbm>>
    %dma_wait3A_659 = tpu.memref_slice %arg3[%multiple_of3A, %multiple_of3A_119] : memref<64x800000xf32, #tpu.memory_space<hbm>> -> memref<8x3200xf32, #tpu.memory_space<hbm>>
    tpu.wait_dma2 semaphore(%arg6 : memref<!tpu.dma_semaphore, #tpu.memory_space<semaphore_mem>>) src(%arg5 : memref<8x3200xf32, #tpu.memory_space<vmem>>) dst(%dma_wait3A_659 : memref<8x3200xf32, #tpu.memory_space<hbm>>)
    %dma_wait3A_660 = tpu.memref_slice %arg3[%multiple_of3A, %multiple_of3A_126] : memref<64x800000xf32, #tpu.memory_space<hbm>> -> memref<8x3200xf32, #tpu.memory_space<hbm>>
    %dma_wait3A_661 = tpu.memref_slice %arg3[%multiple_of3A, %multiple_of3A_126] : memref<64x800000xf32, #tpu.memory_space<hbm>> -> memref<8x3200xf32, #tpu.memory_space<hbm>>
    tpu.wait_dma2 semaphore(%arg6 : memref<!tpu.dma_semaphore, #tpu.memory_space<semaphore_mem>>) src(%arg5 : memref<8x3200xf32, #tpu.memory_space<vmem>>) dst(%dma_wait3A_661 : memref<8x3200xf32, #tpu.memory_space<hbm>>)
    %dma_wait3A_662 = tpu.memref_slice %arg3[%multiple_of3A, %multiple_of3A_133] : memref<64x800000xf32, #tpu.memory_space<hbm>> -> memref<8x3200xf32, #tpu.memory_space<hbm>>
    %dma_wait3A_663 = tpu.memref_slice %arg3[%multiple_of3A, %multiple_of3A_133] : memref<64x800000xf32, #tpu.memory_space<hbm>> -> memref<8x3200xf32, #tpu.memory_space<hbm>>
    tpu.wait_dma2 semaphore(%arg6 : memref<!tpu.dma_semaphore, #tpu.memory_space<semaphore_mem>>) src(%arg5 : memref<8x3200xf32, #tpu.memory_space<vmem>>) dst(%dma_wait3A_663 : memref<8x3200xf32, #tpu.memory_space<hbm>>)
    %dma_wait3A_664 = tpu.memref_slice %arg3[%multiple_of3A, %multiple_of3A_140] : memref<64x800000xf32, #tpu.memory_space<hbm>> -> memref<8x3200xf32, #tpu.memory_space<hbm>>
    %dma_wait3A_665 = tpu.memref_slice %arg3[%multiple_of3A, %multiple_of3A_140] : memref<64x800000xf32, #tpu.memory_space<hbm>> -> memref<8x3200xf32, #tpu.memory_space<hbm>>
    tpu.wait_dma2 semaphore(%arg6 : memref<!tpu.dma_semaphore, #tpu.memory_space<semaphore_mem>>) src(%arg5 : memref<8x3200xf32, #tpu.memory_space<vmem>>) dst(%dma_wait3A_665 : memref<8x3200xf32, #tpu.memory_space<hbm>>)
    %dma_wait3A_666 = tpu.memref_slice %arg3[%multiple_of3A, %multiple_of3A_147] : memref<64x800000xf32, #tpu.memory_space<hbm>> -> memref<8x3200xf32, #tpu.memory_space<hbm>>
    %dma_wait3A_667 = tpu.memref_slice %arg3[%multiple_of3A, %multiple_of3A_147] : memref<64x800000xf32, #tpu.memory_space<hbm>> -> memref<8x3200xf32, #tpu.memory_space<hbm>>
    tpu.wait_dma2 semaphore(%arg6 : memref<!tpu.dma_semaphore, #tpu.memory_space<semaphore_mem>>) src(%arg5 : memref<8x3200xf32, #tpu.memory_space<vmem>>) dst(%dma_wait3A_667 : memref<8x3200xf32, #tpu.memory_space<hbm>>)
    %dma_wait3A_668 = tpu.memref_slice %arg3[%multiple_of3A, %multiple_of3A_154] : memref<64x800000xf32, #tpu.memory_space<hbm>> -> memref<8x3200xf32, #tpu.memory_space<hbm>>
    %dma_wait3A_669 = tpu.memref_slice %arg3[%multiple_of3A, %multiple_of3A_154] : memref<64x800000xf32, #tpu.memory_space<hbm>> -> memref<8x3200xf32, #tpu.memory_space<hbm>>
    tpu.wait_dma2 semaphore(%arg6 : memref<!tpu.dma_semaphore, #tpu.memory_space<semaphore_mem>>) src(%arg5 : memref<8x3200xf32, #tpu.memory_space<vmem>>) dst(%dma_wait3A_669 : memref<8x3200xf32, #tpu.memory_space<hbm>>)
    %dma_wait3A_670 = tpu.memref_slice %arg3[%multiple_of3A, %multiple_of3A_161] : memref<64x800000xf32, #tpu.memory_space<hbm>> -> memref<8x3200xf32, #tpu.memory_space<hbm>>
    %dma_wait3A_671 = tpu.memref_slice %arg3[%multiple_of3A, %multiple_of3A_161] : memref<64x800000xf32, #tpu.memory_space<hbm>> -> memref<8x3200xf32, #tpu.memory_space<hbm>>
    tpu.wait_dma2 semaphore(%arg6 : memref<!tpu.dma_semaphore, #tpu.memory_space<semaphore_mem>>) src(%arg5 : memref<8x3200xf32, #tpu.memory_space<vmem>>) dst(%dma_wait3A_671 : memref<8x3200xf32, #tpu.memory_space<hbm>>)
    %dma_wait3A_672 = tpu.memref_slice %arg3[%multiple_of3A, %multiple_of3A_168] : memref<64x800000xf32, #tpu.memory_space<hbm>> -> memref<8x3200xf32, #tpu.memory_space<hbm>>
    %dma_wait3A_673 = tpu.memref_slice %arg3[%multiple_of3A, %multiple_of3A_168] : memref<64x800000xf32, #tpu.memory_space<hbm>> -> memref<8x3200xf32, #tpu.memory_space<hbm>>
    tpu.wait_dma2 semaphore(%arg6 : memref<!tpu.dma_semaphore, #tpu.memory_space<semaphore_mem>>) src(%arg5 : memref<8x3200xf32, #tpu.memory_space<vmem>>) dst(%dma_wait3A_673 : memref<8x3200xf32, #tpu.memory_space<hbm>>)
    %dma_wait3A_674 = tpu.memref_slice %arg3[%multiple_of3A, %multiple_of3A_175] : memref<64x800000xf32, #tpu.memory_space<hbm>> -> memref<8x3200xf32, #tpu.memory_space<hbm>>
    %dma_wait3A_675 = tpu.memref_slice %arg3[%multiple_of3A, %multiple_of3A_175] : memref<64x800000xf32, #tpu.memory_space<hbm>> -> memref<8x3200xf32, #tpu.memory_space<hbm>>
    tpu.wait_dma2 semaphore(%arg6 : memref<!tpu.dma_semaphore, #tpu.memory_space<semaphore_mem>>) src(%arg5 : memref<8x3200xf32, #tpu.memory_space<vmem>>) dst(%dma_wait3A_675 : memref<8x3200xf32, #tpu.memory_space<hbm>>)
    %dma_wait3A_676 = tpu.memref_slice %arg3[%multiple_of3A, %multiple_of3A_182] : memref<64x800000xf32, #tpu.memory_space<hbm>> -> memref<8x3200xf32, #tpu.memory_space<hbm>>
    %dma_wait3A_677 = tpu.memref_slice %arg3[%multiple_of3A, %multiple_of3A_182] : memref<64x800000xf32, #tpu.memory_space<hbm>> -> memref<8x3200xf32, #tpu.memory_space<hbm>>
    tpu.wait_dma2 semaphore(%arg6 : memref<!tpu.dma_semaphore, #tpu.memory_space<semaphore_mem>>) src(%arg5 : memref<8x3200xf32, #tpu.memory_space<vmem>>) dst(%dma_wait3A_677 : memref<8x3200xf32, #tpu.memory_space<hbm>>)
    %dma_wait3A_678 = tpu.memref_slice %arg3[%multiple_of3A, %multiple_of3A_189] : memref<64x800000xf32, #tpu.memory_space<hbm>> -> memref<8x3200xf32, #tpu.memory_space<hbm>>
    %dma_wait3A_679 = tpu.memref_slice %arg3[%multiple_of3A, %multiple_of3A_189] : memref<64x800000xf32, #tpu.memory_space<hbm>> -> memref<8x3200xf32, #tpu.memory_space<hbm>>
    tpu.wait_dma2 semaphore(%arg6 : memref<!tpu.dma_semaphore, #tpu.memory_space<semaphore_mem>>) src(%arg5 : memref<8x3200xf32, #tpu.memory_space<vmem>>) dst(%dma_wait3A_679 : memref<8x3200xf32, #tpu.memory_space<hbm>>)
    %dma_wait3A_680 = tpu.memref_slice %arg3[%multiple_of3A, %multiple_of3A_196] : memref<64x800000xf32, #tpu.memory_space<hbm>> -> memref<8x3200xf32, #tpu.memory_space<hbm>>
    %dma_wait3A_681 = tpu.memref_slice %arg3[%multiple_of3A, %multiple_of3A_196] : memref<64x800000xf32, #tpu.memory_space<hbm>> -> memref<8x3200xf32, #tpu.memory_space<hbm>>
    tpu.wait_dma2 semaphore(%arg6 : memref<!tpu.dma_semaphore, #tpu.memory_space<semaphore_mem>>) src(%arg5 : memref<8x3200xf32, #tpu.memory_space<vmem>>) dst(%dma_wait3A_681 : memref<8x3200xf32, #tpu.memory_space<hbm>>)
    %dma_wait3A_682 = tpu.memref_slice %arg3[%multiple_of3A, %multiple_of3A_203] : memref<64x800000xf32, #tpu.memory_space<hbm>> -> memref<8x3200xf32, #tpu.memory_space<hbm>>
    %dma_wait3A_683 = tpu.memref_slice %arg3[%multiple_of3A, %multiple_of3A_203] : memref<64x800000xf32, #tpu.memory_space<hbm>> -> memref<8x3200xf32, #tpu.memory_space<hbm>>
    tpu.wait_dma2 semaphore(%arg6 : memref<!tpu.dma_semaphore, #tpu.memory_space<semaphore_mem>>) src(%arg5 : memref<8x3200xf32, #tpu.memory_space<vmem>>) dst(%dma_wait3A_683 : memref<8x3200xf32, #tpu.memory_space<hbm>>)
    %dma_wait3A_684 = tpu.memref_slice %arg3[%multiple_of3A, %multiple_of3A_210] : memref<64x800000xf32, #tpu.memory_space<hbm>> -> memref<8x3200xf32, #tpu.memory_space<hbm>>
    %dma_wait3A_685 = tpu.memref_slice %arg3[%multiple_of3A, %multiple_of3A_210] : memref<64x800000xf32, #tpu.memory_space<hbm>> -> memref<8x3200xf32, #tpu.memory_space<hbm>>
    tpu.wait_dma2 semaphore(%arg6 : memref<!tpu.dma_semaphore, #tpu.memory_space<semaphore_mem>>) src(%arg5 : memref<8x3200xf32, #tpu.memory_space<vmem>>) dst(%dma_wait3A_685 : memref<8x3200xf32, #tpu.memory_space<hbm>>)
    %dma_wait3A_686 = tpu.memref_slice %arg3[%multiple_of3A, %multiple_of3A_217] : memref<64x800000xf32, #tpu.memory_space<hbm>> -> memref<8x3200xf32, #tpu.memory_space<hbm>>
    %dma_wait3A_687 = tpu.memref_slice %arg3[%multiple_of3A, %multiple_of3A_217] : memref<64x800000xf32, #tpu.memory_space<hbm>> -> memref<8x3200xf32, #tpu.memory_space<hbm>>
    tpu.wait_dma2 semaphore(%arg6 : memref<!tpu.dma_semaphore, #tpu.memory_space<semaphore_mem>>) src(%arg5 : memref<8x3200xf32, #tpu.memory_space<vmem>>) dst(%dma_wait3A_687 : memref<8x3200xf32, #tpu.memory_space<hbm>>)
    %dma_wait3A_688 = tpu.memref_slice %arg3[%multiple_of3A, %multiple_of3A_224] : memref<64x800000xf32, #tpu.memory_space<hbm>> -> memref<8x3200xf32, #tpu.memory_space<hbm>>
    %dma_wait3A_689 = tpu.memref_slice %arg3[%multiple_of3A, %multiple_of3A_224] : memref<64x800000xf32, #tpu.memory_space<hbm>> -> memref<8x3200xf32, #tpu.memory_space<hbm>>
    tpu.wait_dma2 semaphore(%arg6 : memref<!tpu.dma_semaphore, #tpu.memory_space<semaphore_mem>>) src(%arg5 : memref<8x3200xf32, #tpu.memory_space<vmem>>) dst(%dma_wait3A_689 : memref<8x3200xf32, #tpu.memory_space<hbm>>)
    %dma_wait3A_690 = tpu.memref_slice %arg3[%multiple_of3A, %multiple_of3A_231] : memref<64x800000xf32, #tpu.memory_space<hbm>> -> memref<8x3200xf32, #tpu.memory_space<hbm>>
    %dma_wait3A_691 = tpu.memref_slice %arg3[%multiple_of3A, %multiple_of3A_231] : memref<64x800000xf32, #tpu.memory_space<hbm>> -> memref<8x3200xf32, #tpu.memory_space<hbm>>
    tpu.wait_dma2 semaphore(%arg6 : memref<!tpu.dma_semaphore, #tpu.memory_space<semaphore_mem>>) src(%arg5 : memref<8x3200xf32, #tpu.memory_space<vmem>>) dst(%dma_wait3A_691 : memref<8x3200xf32, #tpu.memory_space<hbm>>)
    %dma_wait3A_692 = tpu.memref_slice %arg3[%multiple_of3A, %multiple_of3A_238] : memref<64x800000xf32, #tpu.memory_space<hbm>> -> memref<8x3200xf32, #tpu.memory_space<hbm>>
    %dma_wait3A_693 = tpu.memref_slice %arg3[%multiple_of3A, %multiple_of3A_238] : memref<64x800000xf32, #tpu.memory_space<hbm>> -> memref<8x3200xf32, #tpu.memory_space<hbm>>
    tpu.wait_dma2 semaphore(%arg6 : memref<!tpu.dma_semaphore, #tpu.memory_space<semaphore_mem>>) src(%arg5 : memref<8x3200xf32, #tpu.memory_space<vmem>>) dst(%dma_wait3A_693 : memref<8x3200xf32, #tpu.memory_space<hbm>>)
    %dma_wait3A_694 = tpu.memref_slice %arg3[%multiple_of3A, %multiple_of3A_245] : memref<64x800000xf32, #tpu.memory_space<hbm>> -> memref<8x3200xf32, #tpu.memory_space<hbm>>
    %dma_wait3A_695 = tpu.memref_slice %arg3[%multiple_of3A, %multiple_of3A_245] : memref<64x800000xf32, #tpu.memory_space<hbm>> -> memref<8x3200xf32, #tpu.memory_space<hbm>>
    tpu.wait_dma2 semaphore(%arg6 : memref<!tpu.dma_semaphore, #tpu.memory_space<semaphore_mem>>) src(%arg5 : memref<8x3200xf32, #tpu.memory_space<vmem>>) dst(%dma_wait3A_695 : memref<8x3200xf32, #tpu.memory_space<hbm>>)
    %dma_wait3A_696 = tpu.memref_slice %arg3[%multiple_of3A, %multiple_of3A_252] : memref<64x800000xf32, #tpu.memory_space<hbm>> -> memref<8x3200xf32, #tpu.memory_space<hbm>>
    %dma_wait3A_697 = tpu.memref_slice %arg3[%multiple_of3A, %multiple_of3A_252] : memref<64x800000xf32, #tpu.memory_space<hbm>> -> memref<8x3200xf32, #tpu.memory_space<hbm>>
    tpu.wait_dma2 semaphore(%arg6 : memref<!tpu.dma_semaphore, #tpu.memory_space<semaphore_mem>>) src(%arg5 : memref<8x3200xf32, #tpu.memory_space<vmem>>) dst(%dma_wait3A_697 : memref<8x3200xf32, #tpu.memory_space<hbm>>)
    %dma_wait3A_698 = tpu.memref_slice %arg3[%multiple_of3A, %multiple_of3A_259] : memref<64x800000xf32, #tpu.memory_space<hbm>> -> memref<8x3200xf32, #tpu.memory_space<hbm>>
    %dma_wait3A_699 = tpu.memref_slice %arg3[%multiple_of3A, %multiple_of3A_259] : memref<64x800000xf32, #tpu.memory_space<hbm>> -> memref<8x3200xf32, #tpu.memory_space<hbm>>
    tpu.wait_dma2 semaphore(%arg6 : memref<!tpu.dma_semaphore, #tpu.memory_space<semaphore_mem>>) src(%arg5 : memref<8x3200xf32, #tpu.memory_space<vmem>>) dst(%dma_wait3A_699 : memref<8x3200xf32, #tpu.memory_space<hbm>>)
    %dma_wait3A_700 = tpu.memref_slice %arg3[%multiple_of3A, %multiple_of3A_266] : memref<64x800000xf32, #tpu.memory_space<hbm>> -> memref<8x3200xf32, #tpu.memory_space<hbm>>
    %dma_wait3A_701 = tpu.memref_slice %arg3[%multiple_of3A, %multiple_of3A_266] : memref<64x800000xf32, #tpu.memory_space<hbm>> -> memref<8x3200xf32, #tpu.memory_space<hbm>>
    tpu.wait_dma2 semaphore(%arg6 : memref<!tpu.dma_semaphore, #tpu.memory_space<semaphore_mem>>) src(%arg5 : memref<8x3200xf32, #tpu.memory_space<vmem>>) dst(%dma_wait3A_701 : memref<8x3200xf32, #tpu.memory_space<hbm>>)
    %dma_wait3A_702 = tpu.memref_slice %arg3[%multiple_of3A, %multiple_of3A_273] : memref<64x800000xf32, #tpu.memory_space<hbm>> -> memref<8x3200xf32, #tpu.memory_space<hbm>>
    %dma_wait3A_703 = tpu.memref_slice %arg3[%multiple_of3A, %multiple_of3A_273] : memref<64x800000xf32, #tpu.memory_space<hbm>> -> memref<8x3200xf32, #tpu.memory_space<hbm>>
    tpu.wait_dma2 semaphore(%arg6 : memref<!tpu.dma_semaphore, #tpu.memory_space<semaphore_mem>>) src(%arg5 : memref<8x3200xf32, #tpu.memory_space<vmem>>) dst(%dma_wait3A_703 : memref<8x3200xf32, #tpu.memory_space<hbm>>)
    %dma_wait3A_704 = tpu.memref_slice %arg3[%multiple_of3A, %multiple_of3A_280] : memref<64x800000xf32, #tpu.memory_space<hbm>> -> memref<8x3200xf32, #tpu.memory_space<hbm>>
    %dma_wait3A_705 = tpu.memref_slice %arg3[%multiple_of3A, %multiple_of3A_280] : memref<64x800000xf32, #tpu.memory_space<hbm>> -> memref<8x3200xf32, #tpu.memory_space<hbm>>
    tpu.wait_dma2 semaphore(%arg6 : memref<!tpu.dma_semaphore, #tpu.memory_space<semaphore_mem>>) src(%arg5 : memref<8x3200xf32, #tpu.memory_space<vmem>>) dst(%dma_wait3A_705 : memref<8x3200xf32, #tpu.memory_space<hbm>>)
    %dma_wait3A_706 = tpu.memref_slice %arg3[%multiple_of3A, %multiple_of3A_287] : memref<64x800000xf32, #tpu.memory_space<hbm>> -> memref<8x3200xf32, #tpu.memory_space<hbm>>
    %dma_wait3A_707 = tpu.memref_slice %arg3[%multiple_of3A, %multiple_of3A_287] : memref<64x800000xf32, #tpu.memory_space<hbm>> -> memref<8x3200xf32, #tpu.memory_space<hbm>>
    tpu.wait_dma2 semaphore(%arg6 : memref<!tpu.dma_semaphore, #tpu.memory_space<semaphore_mem>>) src(%arg5 : memref<8x3200xf32, #tpu.memory_space<vmem>>) dst(%dma_wait3A_707 : memref<8x3200xf32, #tpu.memory_space<hbm>>)
    %dma_wait3A_708 = tpu.memref_slice %arg3[%multiple_of3A, %multiple_of3A_294] : memref<64x800000xf32, #tpu.memory_space<hbm>> -> memref<8x3200xf32, #tpu.memory_space<hbm>>
    %dma_wait3A_709 = tpu.memref_slice %arg3[%multiple_of3A, %multiple_of3A_294] : memref<64x800000xf32, #tpu.memory_space<hbm>> -> memref<8x3200xf32, #tpu.memory_space<hbm>>
    tpu.wait_dma2 semaphore(%arg6 : memref<!tpu.dma_semaphore, #tpu.memory_space<semaphore_mem>>) src(%arg5 : memref<8x3200xf32, #tpu.memory_space<vmem>>) dst(%dma_wait3A_709 : memref<8x3200xf32, #tpu.memory_space<hbm>>)
    %dma_wait3A_710 = tpu.memref_slice %arg3[%multiple_of3A, %multiple_of3A_301] : memref<64x800000xf32, #tpu.memory_space<hbm>> -> memref<8x3200xf32, #tpu.memory_space<hbm>>
    %dma_wait3A_711 = tpu.memref_slice %arg3[%multiple_of3A, %multiple_of3A_301] : memref<64x800000xf32, #tpu.memory_space<hbm>> -> memref<8x3200xf32, #tpu.memory_space<hbm>>
    tpu.wait_dma2 semaphore(%arg6 : memref<!tpu.dma_semaphore, #tpu.memory_space<semaphore_mem>>) src(%arg5 : memref<8x3200xf32, #tpu.memory_space<vmem>>) dst(%dma_wait3A_711 : memref<8x3200xf32, #tpu.memory_space<hbm>>)
    %dma_wait3A_712 = tpu.memref_slice %arg3[%multiple_of3A, %multiple_of3A_308] : memref<64x800000xf32, #tpu.memory_space<hbm>> -> memref<8x3200xf32, #tpu.memory_space<hbm>>
    %dma_wait3A_713 = tpu.memref_slice %arg3[%multiple_of3A, %multiple_of3A_308] : memref<64x800000xf32, #tpu.memory_space<hbm>> -> memref<8x3200xf32, #tpu.memory_space<hbm>>
    tpu.wait_dma2 semaphore(%arg6 : memref<!tpu.dma_semaphore, #tpu.memory_space<semaphore_mem>>) src(%arg5 : memref<8x3200xf32, #tpu.memory_space<vmem>>) dst(%dma_wait3A_713 : memref<8x3200xf32, #tpu.memory_space<hbm>>)
    %dma_wait3A_714 = tpu.memref_slice %arg3[%multiple_of3A, %multiple_of3A_315] : memref<64x800000xf32, #tpu.memory_space<hbm>> -> memref<8x3200xf32, #tpu.memory_space<hbm>>
    %dma_wait3A_715 = tpu.memref_slice %arg3[%multiple_of3A, %multiple_of3A_315] : memref<64x800000xf32, #tpu.memory_space<hbm>> -> memref<8x3200xf32, #tpu.memory_space<hbm>>
    tpu.wait_dma2 semaphore(%arg6 : memref<!tpu.dma_semaphore, #tpu.memory_space<semaphore_mem>>) src(%arg5 : memref<8x3200xf32, #tpu.memory_space<vmem>>) dst(%dma_wait3A_715 : memref<8x3200xf32, #tpu.memory_space<hbm>>)
    %dma_wait3A_716 = tpu.memref_slice %arg3[%multiple_of3A, %multiple_of3A_322] : memref<64x800000xf32, #tpu.memory_space<hbm>> -> memref<8x3200xf32, #tpu.memory_space<hbm>>
    %dma_wait3A_717 = tpu.memref_slice %arg3[%multiple_of3A, %multiple_of3A_322] : memref<64x800000xf32, #tpu.memory_space<hbm>> -> memref<8x3200xf32, #tpu.memory_space<hbm>>
    tpu.wait_dma2 semaphore(%arg6 : memref<!tpu.dma_semaphore, #tpu.memory_space<semaphore_mem>>) src(%arg5 : memref<8x3200xf32, #tpu.memory_space<vmem>>) dst(%dma_wait3A_717 : memref<8x3200xf32, #tpu.memory_space<hbm>>)
    %dma_wait3A_718 = tpu.memref_slice %arg3[%multiple_of3A, %multiple_of3A_329] : memref<64x800000xf32, #tpu.memory_space<hbm>> -> memref<8x3200xf32, #tpu.memory_space<hbm>>
    %dma_wait3A_719 = tpu.memref_slice %arg3[%multiple_of3A, %multiple_of3A_329] : memref<64x800000xf32, #tpu.memory_space<hbm>> -> memref<8x3200xf32, #tpu.memory_space<hbm>>
    tpu.wait_dma2 semaphore(%arg6 : memref<!tpu.dma_semaphore, #tpu.memory_space<semaphore_mem>>) src(%arg5 : memref<8x3200xf32, #tpu.memory_space<vmem>>) dst(%dma_wait3A_719 : memref<8x3200xf32, #tpu.memory_space<hbm>>)
    %dma_wait3A_720 = tpu.memref_slice %arg3[%multiple_of3A, %multiple_of3A_336] : memref<64x800000xf32, #tpu.memory_space<hbm>> -> memref<8x3200xf32, #tpu.memory_space<hbm>>
    %dma_wait3A_721 = tpu.memref_slice %arg3[%multiple_of3A, %multiple_of3A_336] : memref<64x800000xf32, #tpu.memory_space<hbm>> -> memref<8x3200xf32, #tpu.memory_space<hbm>>
    tpu.wait_dma2 semaphore(%arg6 : memref<!tpu.dma_semaphore, #tpu.memory_space<semaphore_mem>>) src(%arg5 : memref<8x3200xf32, #tpu.memory_space<vmem>>) dst(%dma_wait3A_721 : memref<8x3200xf32, #tpu.memory_space<hbm>>)
    %dma_wait3A_722 = tpu.memref_slice %arg3[%multiple_of3A, %multiple_of3A_343] : memref<64x800000xf32, #tpu.memory_space<hbm>> -> memref<8x3200xf32, #tpu.memory_space<hbm>>
    %dma_wait3A_723 = tpu.memref_slice %arg3[%multiple_of3A, %multiple_of3A_343] : memref<64x800000xf32, #tpu.memory_space<hbm>> -> memref<8x3200xf32, #tpu.memory_space<hbm>>
    tpu.wait_dma2 semaphore(%arg6 : memref<!tpu.dma_semaphore, #tpu.memory_space<semaphore_mem>>) src(%arg5 : memref<8x3200xf32, #tpu.memory_space<vmem>>) dst(%dma_wait3A_723 : memref<8x3200xf32, #tpu.memory_space<hbm>>)
    %dma_wait3A_724 = tpu.memref_slice %arg3[%multiple_of3A, %multiple_of3A_350] : memref<64x800000xf32, #tpu.memory_space<hbm>> -> memref<8x3200xf32, #tpu.memory_space<hbm>>
    %dma_wait3A_725 = tpu.memref_slice %arg3[%multiple_of3A, %multiple_of3A_350] : memref<64x800000xf32, #tpu.memory_space<hbm>> -> memref<8x3200xf32, #tpu.memory_space<hbm>>
    tpu.wait_dma2 semaphore(%arg6 : memref<!tpu.dma_semaphore, #tpu.memory_space<semaphore_mem>>) src(%arg5 : memref<8x3200xf32, #tpu.memory_space<vmem>>) dst(%dma_wait3A_725 : memref<8x3200xf32, #tpu.memory_space<hbm>>)
    %dma_wait3A_726 = tpu.memref_slice %arg3[%multiple_of3A, %multiple_of3A_357] : memref<64x800000xf32, #tpu.memory_space<hbm>> -> memref<8x3200xf32, #tpu.memory_space<hbm>>
    %dma_wait3A_727 = tpu.memref_slice %arg3[%multiple_of3A, %multiple_of3A_357] : memref<64x800000xf32, #tpu.memory_space<hbm>> -> memref<8x3200xf32, #tpu.memory_space<hbm>>
    tpu.wait_dma2 semaphore(%arg6 : memref<!tpu.dma_semaphore, #tpu.memory_space<semaphore_mem>>) src(%arg5 : memref<8x3200xf32, #tpu.memory_space<vmem>>) dst(%dma_wait3A_727 : memref<8x3200xf32, #tpu.memory_space<hbm>>)
    %dma_wait3A_728 = tpu.memref_slice %arg3[%multiple_of3A, %multiple_of3A_364] : memref<64x800000xf32, #tpu.memory_space<hbm>> -> memref<8x3200xf32, #tpu.memory_space<hbm>>
    %dma_wait3A_729 = tpu.memref_slice %arg3[%multiple_of3A, %multiple_of3A_364] : memref<64x800000xf32, #tpu.memory_space<hbm>> -> memref<8x3200xf32, #tpu.memory_space<hbm>>
    tpu.wait_dma2 semaphore(%arg6 : memref<!tpu.dma_semaphore, #tpu.memory_space<semaphore_mem>>) src(%arg5 : memref<8x3200xf32, #tpu.memory_space<vmem>>) dst(%dma_wait3A_729 : memref<8x3200xf32, #tpu.memory_space<hbm>>)
    %dma_wait3A_730 = tpu.memref_slice %arg3[%multiple_of3A, %multiple_of3A_371] : memref<64x800000xf32, #tpu.memory_space<hbm>> -> memref<8x3200xf32, #tpu.memory_space<hbm>>
    %dma_wait3A_731 = tpu.memref_slice %arg3[%multiple_of3A, %multiple_of3A_371] : memref<64x800000xf32, #tpu.memory_space<hbm>> -> memref<8x3200xf32, #tpu.memory_space<hbm>>
    tpu.wait_dma2 semaphore(%arg6 : memref<!tpu.dma_semaphore, #tpu.memory_space<semaphore_mem>>) src(%arg5 : memref<8x3200xf32, #tpu.memory_space<vmem>>) dst(%dma_wait3A_731 : memref<8x3200xf32, #tpu.memory_space<hbm>>)
    %dma_wait3A_732 = tpu.memref_slice %arg3[%multiple_of3A, %multiple_of3A_378] : memref<64x800000xf32, #tpu.memory_space<hbm>> -> memref<8x3200xf32, #tpu.memory_space<hbm>>
    %dma_wait3A_733 = tpu.memref_slice %arg3[%multiple_of3A, %multiple_of3A_378] : memref<64x800000xf32, #tpu.memory_space<hbm>> -> memref<8x3200xf32, #tpu.memory_space<hbm>>
    tpu.wait_dma2 semaphore(%arg6 : memref<!tpu.dma_semaphore, #tpu.memory_space<semaphore_mem>>) src(%arg5 : memref<8x3200xf32, #tpu.memory_space<vmem>>) dst(%dma_wait3A_733 : memref<8x3200xf32, #tpu.memory_space<hbm>>)
    %dma_wait3A_734 = tpu.memref_slice %arg3[%multiple_of3A, %multiple_of3A_385] : memref<64x800000xf32, #tpu.memory_space<hbm>> -> memref<8x3200xf32, #tpu.memory_space<hbm>>
    %dma_wait3A_735 = tpu.memref_slice %arg3[%multiple_of3A, %multiple_of3A_385] : memref<64x800000xf32, #tpu.memory_space<hbm>> -> memref<8x3200xf32, #tpu.memory_space<hbm>>
    tpu.wait_dma2 semaphore(%arg6 : memref<!tpu.dma_semaphore, #tpu.memory_space<semaphore_mem>>) src(%arg5 : memref<8x3200xf32, #tpu.memory_space<vmem>>) dst(%dma_wait3A_735 : memref<8x3200xf32, #tpu.memory_space<hbm>>)
    %dma_wait3A_736 = tpu.memref_slice %arg3[%multiple_of3A, %multiple_of3A_392] : memref<64x800000xf32, #tpu.memory_space<hbm>> -> memref<8x3200xf32, #tpu.memory_space<hbm>>
    %dma_wait3A_737 = tpu.memref_slice %arg3[%multiple_of3A, %multiple_of3A_392] : memref<64x800000xf32, #tpu.memory_space<hbm>> -> memref<8x3200xf32, #tpu.memory_space<hbm>>
    tpu.wait_dma2 semaphore(%arg6 : memref<!tpu.dma_semaphore, #tpu.memory_space<semaphore_mem>>) src(%arg5 : memref<8x3200xf32, #tpu.memory_space<vmem>>) dst(%dma_wait3A_737 : memref<8x3200xf32, #tpu.memory_space<hbm>>)
    %dma_wait3A_738 = tpu.memref_slice %arg3[%multiple_of3A, %multiple_of3A_399] : memref<64x800000xf32, #tpu.memory_space<hbm>> -> memref<8x3200xf32, #tpu.memory_space<hbm>>
    %dma_wait3A_739 = tpu.memref_slice %arg3[%multiple_of3A, %multiple_of3A_399] : memref<64x800000xf32, #tpu.memory_space<hbm>> -> memref<8x3200xf32, #tpu.memory_space<hbm>>
    tpu.wait_dma2 semaphore(%arg6 : memref<!tpu.dma_semaphore, #tpu.memory_space<semaphore_mem>>) src(%arg5 : memref<8x3200xf32, #tpu.memory_space<vmem>>) dst(%dma_wait3A_739 : memref<8x3200xf32, #tpu.memory_space<hbm>>)
    %dma_wait3A_740 = tpu.memref_slice %arg3[%multiple_of3A, %multiple_of3A_406] : memref<64x800000xf32, #tpu.memory_space<hbm>> -> memref<8x3200xf32, #tpu.memory_space<hbm>>
    %dma_wait3A_741 = tpu.memref_slice %arg3[%multiple_of3A, %multiple_of3A_406] : memref<64x800000xf32, #tpu.memory_space<hbm>> -> memref<8x3200xf32, #tpu.memory_space<hbm>>
    tpu.wait_dma2 semaphore(%arg6 : memref<!tpu.dma_semaphore, #tpu.memory_space<semaphore_mem>>) src(%arg5 : memref<8x3200xf32, #tpu.memory_space<vmem>>) dst(%dma_wait3A_741 : memref<8x3200xf32, #tpu.memory_space<hbm>>)
    %dma_wait3A_742 = tpu.memref_slice %arg3[%multiple_of3A, %multiple_of3A_413] : memref<64x800000xf32, #tpu.memory_space<hbm>> -> memref<8x3200xf32, #tpu.memory_space<hbm>>
    %dma_wait3A_743 = tpu.memref_slice %arg3[%multiple_of3A, %multiple_of3A_413] : memref<64x800000xf32, #tpu.memory_space<hbm>> -> memref<8x3200xf32, #tpu.memory_space<hbm>>
    tpu.wait_dma2 semaphore(%arg6 : memref<!tpu.dma_semaphore, #tpu.memory_space<semaphore_mem>>) src(%arg5 : memref<8x3200xf32, #tpu.memory_space<vmem>>) dst(%dma_wait3A_743 : memref<8x3200xf32, #tpu.memory_space<hbm>>)
    %dma_wait3A_744 = tpu.memref_slice %arg3[%multiple_of3A, %multiple_of3A_420] : memref<64x800000xf32, #tpu.memory_space<hbm>> -> memref<8x3200xf32, #tpu.memory_space<hbm>>
    %dma_wait3A_745 = tpu.memref_slice %arg3[%multiple_of3A, %multiple_of3A_420] : memref<64x800000xf32, #tpu.memory_space<hbm>> -> memref<8x3200xf32, #tpu.memory_space<hbm>>
    tpu.wait_dma2 semaphore(%arg6 : memref<!tpu.dma_semaphore, #tpu.memory_space<semaphore_mem>>) src(%arg5 : memref<8x3200xf32, #tpu.memory_space<vmem>>) dst(%dma_wait3A_745 : memref<8x3200xf32, #tpu.memory_space<hbm>>)
    %dma_wait3A_746 = tpu.memref_slice %arg3[%multiple_of3A, %multiple_of3A_427] : memref<64x800000xf32, #tpu.memory_space<hbm>> -> memref<8x3200xf32, #tpu.memory_space<hbm>>
    %dma_wait3A_747 = tpu.memref_slice %arg3[%multiple_of3A, %multiple_of3A_427] : memref<64x800000xf32, #tpu.memory_space<hbm>> -> memref<8x3200xf32, #tpu.memory_space<hbm>>
    tpu.wait_dma2 semaphore(%arg6 : memref<!tpu.dma_semaphore, #tpu.memory_space<semaphore_mem>>) src(%arg5 : memref<8x3200xf32, #tpu.memory_space<vmem>>) dst(%dma_wait3A_747 : memref<8x3200xf32, #tpu.memory_space<hbm>>)
    %dma_wait3A_748 = tpu.memref_slice %arg3[%multiple_of3A, %multiple_of3A_434] : memref<64x800000xf32, #tpu.memory_space<hbm>> -> memref<8x3200xf32, #tpu.memory_space<hbm>>
    %dma_wait3A_749 = tpu.memref_slice %arg3[%multiple_of3A, %multiple_of3A_434] : memref<64x800000xf32, #tpu.memory_space<hbm>> -> memref<8x3200xf32, #tpu.memory_space<hbm>>
    tpu.wait_dma2 semaphore(%arg6 : memref<!tpu.dma_semaphore, #tpu.memory_space<semaphore_mem>>) src(%arg5 : memref<8x3200xf32, #tpu.memory_space<vmem>>) dst(%dma_wait3A_749 : memref<8x3200xf32, #tpu.memory_space<hbm>>)
    %dma_wait3A_750 = tpu.memref_slice %arg3[%multiple_of3A, %multiple_of3A_441] : memref<64x800000xf32, #tpu.memory_space<hbm>> -> memref<8x3200xf32, #tpu.memory_space<hbm>>
    %dma_wait3A_751 = tpu.memref_slice %arg3[%multiple_of3A, %multiple_of3A_441] : memref<64x800000xf32, #tpu.memory_space<hbm>> -> memref<8x3200xf32, #tpu.memory_space<hbm>>
    tpu.wait_dma2 semaphore(%arg6 : memref<!tpu.dma_semaphore, #tpu.memory_space<semaphore_mem>>) src(%arg5 : memref<8x3200xf32, #tpu.memory_space<vmem>>) dst(%dma_wait3A_751 : memref<8x3200xf32, #tpu.memory_space<hbm>>)
    %dma_wait3A_752 = tpu.memref_slice %arg3[%multiple_of3A, %multiple_of3A_448] : memref<64x800000xf32, #tpu.memory_space<hbm>> -> memref<8x3200xf32, #tpu.memory_space<hbm>>
    %dma_wait3A_753 = tpu.memref_slice %arg3[%multiple_of3A, %multiple_of3A_448] : memref<64x800000xf32, #tpu.memory_space<hbm>> -> memref<8x3200xf32, #tpu.memory_space<hbm>>
    tpu.wait_dma2 semaphore(%arg6 : memref<!tpu.dma_semaphore, #tpu.memory_space<semaphore_mem>>) src(%arg5 : memref<8x3200xf32, #tpu.memory_space<vmem>>) dst(%dma_wait3A_753 : memref<8x3200xf32, #tpu.memory_space<hbm>>)
    %dma_wait3A_754 = tpu.memref_slice %arg3[%multiple_of3A, %multiple_of3A_455] : memref<64x800000xf32, #tpu.memory_space<hbm>> -> memref<8x3200xf32, #tpu.memory_space<hbm>>
    %dma_wait3A_755 = tpu.memref_slice %arg3[%multiple_of3A, %multiple_of3A_455] : memref<64x800000xf32, #tpu.memory_space<hbm>> -> memref<8x3200xf32, #tpu.memory_space<hbm>>
    tpu.wait_dma2 semaphore(%arg6 : memref<!tpu.dma_semaphore, #tpu.memory_space<semaphore_mem>>) src(%arg5 : memref<8x3200xf32, #tpu.memory_space<vmem>>) dst(%dma_wait3A_755 : memref<8x3200xf32, #tpu.memory_space<hbm>>)
    %dma_wait3A_756 = tpu.memref_slice %arg3[%multiple_of3A, %multiple_of3A_462] : memref<64x800000xf32, #tpu.memory_space<hbm>> -> memref<8x3200xf32, #tpu.memory_space<hbm>>
    %dma_wait3A_757 = tpu.memref_slice %arg3[%multiple_of3A, %multiple_of3A_462] : memref<64x800000xf32, #tpu.memory_space<hbm>> -> memref<8x3200xf32, #tpu.memory_space<hbm>>
    tpu.wait_dma2 semaphore(%arg6 : memref<!tpu.dma_semaphore, #tpu.memory_space<semaphore_mem>>) src(%arg5 : memref<8x3200xf32, #tpu.memory_space<vmem>>) dst(%dma_wait3A_757 : memref<8x3200xf32, #tpu.memory_space<hbm>>)
    %dma_wait3A_758 = tpu.memref_slice %arg3[%multiple_of3A, %multiple_of3A_469] : memref<64x800000xf32, #tpu.memory_space<hbm>> -> memref<8x3200xf32, #tpu.memory_space<hbm>>
    %dma_wait3A_759 = tpu.memref_slice %arg3[%multiple_of3A, %multiple_of3A_469] : memref<64x800000xf32, #tpu.memory_space<hbm>> -> memref<8x3200xf32, #tpu.memory_space<hbm>>
    tpu.wait_dma2 semaphore(%arg6 : memref<!tpu.dma_semaphore, #tpu.memory_space<semaphore_mem>>) src(%arg5 : memref<8x3200xf32, #tpu.memory_space<vmem>>) dst(%dma_wait3A_759 : memref<8x3200xf32, #tpu.memory_space<hbm>>)
    %dma_wait3A_760 = tpu.memref_slice %arg3[%multiple_of3A, %multiple_of3A_476] : memref<64x800000xf32, #tpu.memory_space<hbm>> -> memref<8x3200xf32, #tpu.memory_space<hbm>>
    %dma_wait3A_761 = tpu.memref_slice %arg3[%multiple_of3A, %multiple_of3A_476] : memref<64x800000xf32, #tpu.memory_space<hbm>> -> memref<8x3200xf32, #tpu.memory_space<hbm>>
    tpu.wait_dma2 semaphore(%arg6 : memref<!tpu.dma_semaphore, #tpu.memory_space<semaphore_mem>>) src(%arg5 : memref<8x3200xf32, #tpu.memory_space<vmem>>) dst(%dma_wait3A_761 : memref<8x3200xf32, #tpu.memory_space<hbm>>)
    %dma_wait3A_762 = tpu.memref_slice %arg3[%multiple_of3A, %multiple_of3A_483] : memref<64x800000xf32, #tpu.memory_space<hbm>> -> memref<8x3200xf32, #tpu.memory_space<hbm>>
    %dma_wait3A_763 = tpu.memref_slice %arg3[%multiple_of3A, %multiple_of3A_483] : memref<64x800000xf32, #tpu.memory_space<hbm>> -> memref<8x3200xf32, #tpu.memory_space<hbm>>
    tpu.wait_dma2 semaphore(%arg6 : memref<!tpu.dma_semaphore, #tpu.memory_space<semaphore_mem>>) src(%arg5 : memref<8x3200xf32, #tpu.memory_space<vmem>>) dst(%dma_wait3A_763 : memref<8x3200xf32, #tpu.memory_space<hbm>>)
    %dma_wait3A_764 = tpu.memref_slice %arg3[%multiple_of3A, %multiple_of3A_490] : memref<64x800000xf32, #tpu.memory_space<hbm>> -> memref<8x3200xf32, #tpu.memory_space<hbm>>
    %dma_wait3A_765 = tpu.memref_slice %arg3[%multiple_of3A, %multiple_of3A_490] : memref<64x800000xf32, #tpu.memory_space<hbm>> -> memref<8x3200xf32, #tpu.memory_space<hbm>>
    tpu.wait_dma2 semaphore(%arg6 : memref<!tpu.dma_semaphore, #tpu.memory_space<semaphore_mem>>) src(%arg5 : memref<8x3200xf32, #tpu.memory_space<vmem>>) dst(%dma_wait3A_765 : memref<8x3200xf32, #tpu.memory_space<hbm>>)
    %dma_wait3A_766 = tpu.memref_slice %arg3[%multiple_of3A, %multiple_of3A_497] : memref<64x800000xf32, #tpu.memory_space<hbm>> -> memref<8x3200xf32, #tpu.memory_space<hbm>>
    %dma_wait3A_767 = tpu.memref_slice %arg3[%multiple_of3A, %multiple_of3A_497] : memref<64x800000xf32, #tpu.memory_space<hbm>> -> memref<8x3200xf32, #tpu.memory_space<hbm>>
    tpu.wait_dma2 semaphore(%arg6 : memref<!tpu.dma_semaphore, #tpu.memory_space<semaphore_mem>>) src(%arg5 : memref<8x3200xf32, #tpu.memory_space<vmem>>) dst(%dma_wait3A_767 : memref<8x3200xf32, #tpu.memory_space<hbm>>)
    %dma_wait3A_768 = tpu.memref_slice %arg3[%multiple_of3A, %multiple_of3A_504] : memref<64x800000xf32, #tpu.memory_space<hbm>> -> memref<8x3200xf32, #tpu.memory_space<hbm>>
    %dma_wait3A_769 = tpu.memref_slice %arg3[%multiple_of3A, %multiple_of3A_504] : memref<64x800000xf32, #tpu.memory_space<hbm>> -> memref<8x3200xf32, #tpu.memory_space<hbm>>
    tpu.wait_dma2 semaphore(%arg6 : memref<!tpu.dma_semaphore, #tpu.memory_space<semaphore_mem>>) src(%arg5 : memref<8x3200xf32, #tpu.memory_space<vmem>>) dst(%dma_wait3A_769 : memref<8x3200xf32, #tpu.memory_space<hbm>>)
    %dma_wait3A_770 = tpu.memref_slice %arg3[%multiple_of3A, %multiple_of3A_511] : memref<64x800000xf32, #tpu.memory_space<hbm>> -> memref<8x3200xf32, #tpu.memory_space<hbm>>
    %dma_wait3A_771 = tpu.memref_slice %arg3[%multiple_of3A, %multiple_of3A_511] : memref<64x800000xf32, #tpu.memory_space<hbm>> -> memref<8x3200xf32, #tpu.memory_space<hbm>>
    tpu.wait_dma2 semaphore(%arg6 : memref<!tpu.dma_semaphore, #tpu.memory_space<semaphore_mem>>) src(%arg5 : memref<8x3200xf32, #tpu.memory_space<vmem>>) dst(%dma_wait3A_771 : memref<8x3200xf32, #tpu.memory_space<hbm>>)
    %dma_wait3A_772 = tpu.memref_slice %arg3[%multiple_of3A, %multiple_of3A_518] : memref<64x800000xf32, #tpu.memory_space<hbm>> -> memref<8x3200xf32, #tpu.memory_space<hbm>>
    %dma_wait3A_773 = tpu.memref_slice %arg3[%multiple_of3A, %multiple_of3A_518] : memref<64x800000xf32, #tpu.memory_space<hbm>> -> memref<8x3200xf32, #tpu.memory_space<hbm>>
    tpu.wait_dma2 semaphore(%arg6 : memref<!tpu.dma_semaphore, #tpu.memory_space<semaphore_mem>>) src(%arg5 : memref<8x3200xf32, #tpu.memory_space<vmem>>) dst(%dma_wait3A_773 : memref<8x3200xf32, #tpu.memory_space<hbm>>)
    %dma_wait3A_774 = tpu.memref_slice %arg3[%multiple_of3A, %multiple_of3A_525] : memref<64x800000xf32, #tpu.memory_space<hbm>> -> memref<8x3200xf32, #tpu.memory_space<hbm>>
    %dma_wait3A_775 = tpu.memref_slice %arg3[%multiple_of3A, %multiple_of3A_525] : memref<64x800000xf32, #tpu.memory_space<hbm>> -> memref<8x3200xf32, #tpu.memory_space<hbm>>
    tpu.wait_dma2 semaphore(%arg6 : memref<!tpu.dma_semaphore, #tpu.memory_space<semaphore_mem>>) src(%arg5 : memref<8x3200xf32, #tpu.memory_space<vmem>>) dst(%dma_wait3A_775 : memref<8x3200xf32, #tpu.memory_space<hbm>>)
    return
  }
}

module attributes {stable_mosaic.version = 14 : i64} {
  func.func @_tc_lookup(%arg0: i32, %arg1: memref<1xi32, #tpu.memory_space<smem>>, %arg2: memref<64x128xf32, #tpu.memory_space<vmem>>, %arg3: memref<64x16xf32, #tpu.memory_space<any>>, %arg4: memref<64x16xf32, #tpu.memory_space<vmem>>, %arg5: memref<!tpu.dma_semaphore, #tpu.memory_space<semaphore_mem>>) attributes {dimension_semantics = [#tpu.dimension_semantics<arbitrary>], iteration_bounds = array<i64: 1>, scalar_prefetch = 1 : i64, scratch_operands = 2 : i64, tpu.core_type = #tpu.core_type<tc>, window_params = [{transform_indices = @transform_0, window_bounds = array<i64: 64, 128>}, {}]} {
    %get3A = arith.constant 0 : index
    %get3A_0 = memref.load %arg1[%get3A] : memref<1xi32, #tpu.memory_space<smem>>
    %jit3A = arith.constant 128 : i32
    %eq3A = arith.constant 0 : i32
    %eq3A_1 = arith.cmpi eq, %jit3A, %eq3A : i32
    %jit3A_2 = arith.constant 1 : i32
    %select_n3A = arith.select %eq3A_1, %jit3A_2, %jit3A : i32
    %rem3A = arith.remsi %get3A_0, %select_n3A : i32
    %ne3A = arith.constant 0 : i32
    %ne3A_3 = arith.cmpi ne, %rem3A, %ne3A : i32
    %lt3A = arith.constant 0 : i32
    %lt3A_4 = arith.cmpi slt, %rem3A, %lt3A : i32
    %lt3A_5 = arith.constant 0 : i32
    %lt3A_6 = arith.cmpi slt, %select_n3A, %lt3A_5 : i32
    %ne3A_7 = arith.xori %lt3A_4, %lt3A_6 : i1
    %and3A = arith.andi %ne3A_7, %ne3A_3 : i1
    %add3A = arith.addi %rem3A, %select_n3A : i32
    %select_n3A_8 = arith.select %and3A, %add3A, %rem3A : i32
    %iota3A = tpu.iota {dimensions = array<i32: 1>} : vector<1x128xi32>
    %eq3A_9 = vector.broadcast %select_n3A_8 : i32 to vector<1x128xi32>
    %eq3A_10 = arith.cmpi eq, %iota3A, %eq3A_9 : vector<1x128xi32>
    %get3A_11 = arith.constant 0 : index
    %get3A_12 = arith.constant 0 : index
    %get3A_13 = vector.load %arg2[%get3A_11, %get3A_12] : memref<64x128xf32, #tpu.memory_space<vmem>>, vector<64x128xf32>
    %jit3A_14 = arith.constant 0.000000e+00 : f32
    %broadcast_in_dim3A = vector.shape_cast %eq3A_10 : vector<1x128xi1> to vector<1x128xi1>
    %broadcast_in_dim3A_15 = vector.broadcast %broadcast_in_dim3A : vector<1x128xi1> to vector<64x128xi1>
    %broadcast_in_dim3A_16 = vector.broadcast %jit3A_14 : f32 to vector<64x128xf32>
    %select_n3A_17 = arith.select %broadcast_in_dim3A_15, %get3A_13, %broadcast_in_dim3A_16 : vector<64x128xi1>, vector<64x128xf32>
    %reduce_sum3A = arith.constant dense<0.000000e+00> : vector<64xf32>
    %reduce_sum3A_18 = vector.multi_reduction <add>, %select_n3A_17, %reduce_sum3A [1] : vector<64x128xf32> to vector<64xf32>
    %broadcast_in_dim3A_19 = vector.shape_cast %reduce_sum3A_18 : vector<64xf32> to vector<64x1xf32>
    %broadcast_in_dim3A_20 = vector.shape_cast %broadcast_in_dim3A_19 : vector<64x1xf32> to vector<64x1xf32>
    %broadcast_in_dim3A_21 = vector.broadcast %broadcast_in_dim3A_20 : vector<64x1xf32> to vector<64x16xf32>
    %swap3A = arith.constant 0 : index
    %swap3A_22 = arith.constant 0 : index
    %swap3A_23 = vector.load %arg4[%swap3A, %swap3A_22] : memref<64x16xf32, #tpu.memory_space<vmem>>, vector<64x16xf32>
    tpu.vector_store %arg4[%swap3A, %swap3A_22], %broadcast_in_dim3A_21 {strides = array<i32>} : memref<64x16xf32, #tpu.memory_space<vmem>>, vector<64x16xf32>,
    tpu.enqueue_dma source(%arg4 : memref<64x16xf32, #tpu.memory_space<vmem>>) target(%arg3 : memref<64x16xf32, #tpu.memory_space<any>>) target_semaphore(%arg5 : memref<!tpu.dma_semaphore, #tpu.memory_space<semaphore_mem>>)
    tpu.wait_dma2 semaphore(%arg5 : memref<!tpu.dma_semaphore, #tpu.memory_space<semaphore_mem>>) src(%arg4 : memref<64x16xf32, #tpu.memory_space<vmem>>) dst(%arg3 : memref<64x16xf32, #tpu.memory_space<any>>)
    return
  }
  func.func @transform_0(%arg0: i32, %arg1: memref<1xi32, #tpu.memory_space<smem>>) -> (i32, i32) {
    %get3A = arith.constant 0 : index
    %get3A_0 = memref.load %arg1[%get3A] : memref<1xi32, #tpu.memory_space<smem>>
    %jit3A = arith.constant 128 : i32
    %div3A = arith.divsi %get3A_0, %jit3A : i32
    %sign3A = arith.constant 0 : i32
    %sign3A_1 = arith.cmpi sgt, %get3A_0, %sign3A : i32
    %sign3A_2 = arith.extui %sign3A_1 : i1 to i32
    %sign3A_3 = arith.constant 0 : i32
    %sign3A_4 = arith.cmpi slt, %get3A_0, %sign3A_3 : i32
    %sign3A_5 = arith.extui %sign3A_4 : i1 to i32
    %sign3A_6 = arith.subi %sign3A_2, %sign3A_5 : i32
    %sign3A_7 = arith.constant 0 : i32
    %sign3A_8 = arith.cmpi sgt, %jit3A, %sign3A_7 : i32
    %sign3A_9 = arith.extui %sign3A_8 : i1 to i32
    %sign3A_10 = arith.constant 0 : i32
    %sign3A_11 = arith.cmpi slt, %jit3A, %sign3A_10 : i32
    %sign3A_12 = arith.extui %sign3A_11 : i1 to i32
    %sign3A_13 = arith.subi %sign3A_9, %sign3A_12 : i32
    %ne3A = arith.cmpi ne, %sign3A_6, %sign3A_13 : i32
    %rem3A = arith.remsi %get3A_0, %jit3A : i32
    %ne3A_14 = arith.constant 0 : i32
    %ne3A_15 = arith.cmpi ne, %rem3A, %ne3A_14 : i32
    %and3A = arith.andi %ne3A, %ne3A_15 : i1
    %sub3A = arith.constant 1 : i32
    %sub3A_16 = arith.subi %div3A, %sub3A : i32
    %select_n3A = arith.select %and3A, %sub3A_16, %div3A : i32
    %c0_i32 = arith.constant 0 : i32
    %c0_i32_17 = arith.constant 0 : i32
    return %c0_i32, %select_n3A : i32, i32
  }
}

</mosaic_0001>

<sc_bundles>
// kernel: kernel.4.cloned.1.call-start
scs
__scs_entry_jumppad:
0x0: {  	(pc) =	sbr.rel $0x88, $3  }
0x1: {  	(tag) =	ssettag $0x0;
	lr =	simm.s32 $0x1  }
0x2: {  	[smem:$0x3F9F] =	sst lr;
	_ =	strace $0xD0000000  }
0x3: {  	_ = 	snop  }
0x4: {  	_ = 	snop  }
0x5: {  	_ = 	snop  }
0x6: {  	_ = 	snop  }
0x7: {  	_ = 	snop  }
__scs_overlays_trampoline_lowered:
0x8: {  	[smem:$0x3FAE] =	sst s0  }
0x9: {  	[smem:$0x3FAF] =	sst s1  }
0xa: {  	[smem:$0x3FB0] =	sst s2  }
0xb: {  	[smem:$0x3FB1] =	sst s3  }
0xc: {  	[smem:$0x3FB2] =	sst s4  }
0xd: {  	[smem:$0x3FB3] =	sst s5  }
0xe: {  	[smem:$0x3FB4] =	sst s6  }
0xf: {  	[smem:$0x3FB5] =	sst s7  }
0x10: {  	[smem:$0x3FB6] =	sst s8  }
0x11: {  	[smem:$0x3FB7] =	sst s9;
	s0 =	simm.s32 @!p0 $0x0  }
0x12: {  	s1 =	sld [smem:$0x3F9D];
	s0 =	simm.s32 @p0 $0x1  }
0x13: {  	[smem:$0x3FB8] =	sst s0;
	s0 =	simm.s32 @!p1 $0x0  }
0x14: {  	s2 =	sld [smem:$0x3F9C];
	s0 =	simm.s32 @p1 $0x1  }
0x15: {  	[smem:$0x3FB9] =	sst s0;
	s0 =	simm.s32 @!p2 $0x0  }
0x16: {  	s3 =	sld [smem:$0x3FDB];
	s0 =	simm.s32 @p2 $0x1  }
0x17: {  	s4 =	simm.s32 $0x1BF5;
	[smem:$0x3FBB] =	sst s0  }
0x18: {  	s0 =	sld [smem:$0x3F9E];
	_ =	swait.ge [sflag:s4], $0x0  }
0x19: {  	s7 =	sld [smem:$0x3F9F]  }
0x1a: {  	s8 =	sadd.s32 $0xFFFFE003, lr  }
0x1b: {  	s9 =	sadd.s32 $0xFFFFFEF7, lr;
	s5 =	simm.s32 $0xFFFFFFFF;
	p2 =	slt.u32 s8, $0xFFFFF086  }
0x1c: {  	p1 =	slt.u32 s9, $0xF7A;
	s5 =	simm.s32 @!p2 $0x0  }
0x1d: {  	s5 =	simm.s32 @p1 $0x1;
	p0 =	seq.s32 s7, s2  }
0x1e: {  	s7 =	smul.u32 @!p0 $0xF7A, s2;
	p2 =	seq.s32 @!p0 s5, $0x0  }
0x1f: {  	s9 =	smul.u32 $0xF7A, s1;
	s8 =	simm.s32 @!p0 $0x1BF5;
	p2 =	por !p2, p0  }
0x20: {  	[sflag:s8] =	ssyncset.s32 @!p0 $0xFFFFF086;
	s6 =	sadd.s32 @!p0 s3, s7;
	s7 =	simm.s32 @!p0 $0x108  }
0x21: {  	s3 =	sadd.s32 s3, s9;
	s6 =	sadd.s32 @!p0 $0x88, s6;
	s7 =	simm.s32 @p2 $0x1082  }
0x22: {  	[simem:s7], [sflag:s8] =	dma.local @!p0 [hbm:s6], $0xF7A  }
0x23: {  	s9 =	sor.u32 $0xD0000000, s2;
	s6 =	simm.s32 $0x108;
	_ =	swait.ge @!p0 [sflag:s8], $0x0  }
0x24: {  	s3 =	sadd.s32 $0x88, s3;
	s6 =	simm.s32 @!p1 $0x1082;
	[sflag:s4] =	ssyncset.s32 $0xFFFFF086  }
0x25: {  	[simem:s6], [sflag:s4] =	dma.local [hbm:s3], $0xF7A  }
0x26: {  	[smem:$0x3F9F] =	sst s1;
	(tag) =	ssettag s2;
	_ =	strace s9  }
0x27: {  	s1 =	sld [smem:$0x3FAF]  }
0x28: {  	s2 =	sld [smem:$0x3FB0]  }
0x29: {  	s4 =	sld [smem:$0x3FB2]  }
0x2a: {  	p0 =	seq.s32 s5, $0x0;
	s5 =	sld [smem:$0x3FB3]  }
0x2b: {  	s6 =	sld [smem:$0x3FB4]  }
0x2c: {  	s7 =	sld [smem:$0x3FB5]  }
0x2d: {  	s3 =	simm.s32 $0x108;
	s8 =	sld [smem:$0x3FB6]  }
0x2e: {  	s3 =	simm.s32 @!p0 $0x1082;
	s9 =	sld [smem:$0x3FB7]  }
0x2f: {  	lr =	sadd.s32 s0, s3;
	s0 =	sld [smem:$0x3FAE]  }
0x30: {  	s3 =	sld [smem:$0x3FB1]  }
0x31: {  	[smem:$0x3FBA] =	sst s10  }
0x32: {  	s10 =	sld [smem:$0x3FB8];
	_ =	sdelay $0x3  }
0x33: {  	p0 =	seq.s32 s10, $0x1;
	s10 =	sld [smem:$0x3FBA];
	_ =	sdelay $0x3  }
0x34: {  	[smem:$0x3FBA] =	sst s10  }
0x35: {  	s10 =	sld [smem:$0x3FB9];
	_ =	sdelay $0x3  }
0x36: {  	p1 =	seq.s32 s10, $0x1;
	s10 =	sld [smem:$0x3FBA];
	_ =	sdelay $0x3  }
0x37: {  	[smem:$0x3FBA] =	sst s10  }
0x38: {  	s10 =	sld [smem:$0x3FBB]  }
0x39: {  	_ = 	snop;
	(pc) =	sbr.ind lr, $3  }
0x3a: {  	_ = 	snop  }
0x3b: {  	_ = 	snop  }
0x3c: {  	p2 =	seq.s32 s10, $0x1;
	s10 =	sld [smem:$0x3FBA]  }
0x3d: {  	_ =	shalt  }
0x3e: {  	_ =	shalt  }
0x3f: {  	_ =	shalt  }
0x40: {  	_ =	shalt  }
0x41: {  	_ =	shalt  }
0x42: {  	_ =	shalt  }
0x43: {  	_ =	shalt  }
0x44: {  	_ =	shalt  }
0x45: {  	_ =	shalt  }
0x46: {  	_ =	shalt  }
0x47: {  	_ =	shalt  }
0x48: {  	_ =	shalt  }
0x49: {  	_ =	shalt  }
0x4a: {  	_ =	shalt  }
0x4b: {  	_ =	shalt  }
0x4c: {  	_ =	shalt  }
0x4d: {  	_ =	shalt  }
0x4e: {  	_ =	shalt  }
0x4f: {  	_ =	shalt  }
0x50: {  	_ =	shalt  }
0x51: {  	_ =	shalt  }
0x52: {  	_ =	shalt  }
0x53: {  	_ =	shalt  }
0x54: {  	_ =	shalt  }
0x55: {  	_ =	shalt  }
0x56: {  	_ =	shalt  }
0x57: {  	_ =	shalt  }
0x58: {  	_ =	shalt  }
0x59: {  	_ =	shalt  }
0x5a: {  	_ =	shalt  }
0x5b: {  	_ =	shalt  }
0x5c: {  	_ =	shalt  }
0x5d: {  	_ =	shalt  }
0x5e: {  	_ =	shalt  }
0x5f: {  	_ =	shalt  }
0x60: {  	_ =	shalt  }
0x61: {  	_ =	shalt  }
0x62: {  	_ =	shalt  }
0x63: {  	_ =	shalt  }
0x64: {  	_ =	shalt  }
0x65: {  	_ =	shalt  }
0x66: {  	_ =	shalt  }
0x67: {  	_ =	shalt  }
0x68: {  	_ =	shalt  }
0x69: {  	_ =	shalt  }
0x6a: {  	_ =	shalt  }
0x6b: {  	_ =	shalt  }
0x6c: {  	_ =	shalt  }
0x6d: {  	_ =	shalt  }
0x6e: {  	_ =	shalt  }
0x6f: {  	_ =	shalt  }
0x70: {  	_ =	shalt  }
0x71: {  	_ =	shalt  }
0x72: {  	_ =	shalt  }
0x73: {  	_ =	shalt  }
0x74: {  	_ =	shalt  }
0x75: {  	_ =	shalt  }
0x76: {  	_ =	shalt  }
0x77: {  	_ =	shalt  }
0x78: {  	_ =	shalt  }
0x79: {  	_ =	shalt  }
0x7a: {  	_ =	shalt  }
0x7b: {  	_ =	shalt  }
0x7c: {  	_ =	shalt  }
0x7d: {  	_ =	shalt  }
0x7e: {  	_ =	shalt  }
0x7f: {  	_ =	shalt  }
0x80: {  	_ =	shalt  }
0x81: {  	_ =	shalt  }
0x82: {  	_ =	shalt  }
0x83: {  	_ =	shalt  }
0x84: {  	_ =	shalt  }
0x85: {  	_ =	shalt  }
0x86: {  	_ =	shalt  }
0x87: {  	_ =	shalt  }
.Lfunc_end0:
.L_simem_size_0:
called_computation_lowered:
.L_overlay_start_0:
0x88: {  	s2 =	sld [smem:$0x3FD9]  }
0x89: {  	s3 =	sld [smem:$0x3FFE];
	_ =	sdelay $0x1  }
0x8a: {  	s1 =	srdreg.scid  }
0x8b: {  	s0 =	sand.u32 $0x1, s1  }
0x8c: {  	s17 =	sshll.u32 s0, $0xA;
	s2 =	sadd.s32 s3, s2  }
0x8d: {  	s2 =	sadd.s32 s2, s17  }
0x8e: {  	[smem:$0x3FC6] =	sst s2  }
0x8f: {  	_ = 	snop  }
0x90: {  	s2 =	sld [smem:$0x3FD0];
	(tm) =	ssettm $0x1  }
0x91: {  	s18 =	sld [smem:$0x3FFB];
	_ =	sdelay $0x3  }
0x92: {  	_ =	strace s18  }
0x93: {  	s3 =	sld [smem:$0x3FFC];
	_ =	sdelay $0x3  }
0x94: {  	_ =	strace s3  }
0x95: {  	s3 =	sld [smem:$0x3FFD];
	_ =	sdelay $0x3  }
0x96: {  	_ =	strace s3  }
0x97: {  	_ =	strace $0x8FFFFFFF  }
0x98: {  	s19 =	sld [smem:$0x3FDB];
	_ =	sdelay $0x1  }
0x99: {  	s4 =	simm.s32 $_scs_section_size  }
0x9a: {  	s5 =	simm.s32 $_size__tile_overlayer_lowered;
	s6 =	simm.s32 $_tile_overlayer_lowered  }
0x9b: {  	s22 =	simm.s32 $0x1BFF;
	s21 =	sshll.u32 s6, $0x1;
	s3 =	sadd.s32 s4, s19  }
0x9c: {  	s7 =	simm.s32 $0x0;
	s20 =	sshll.u32 s5, $0x1;
	s5 =	sadd.s32 s21, s3  }
0x9d: {  	[timem:s7], [sflag:s22] =	dma.local [hbm:s5], s20  }
0x9e: {  	_ =	swait.ge [sflag:s22], s20  }
0x9f: {  	s4 =	ssub.s32 $0x0, s20;
	[sflag:s22] =	ssyncset.done $0x0  }
0xa0: {  	[sflag:s22] =	ssyncadd.s32 s4;
	_ =	sdelay $0x1  }
0xa1: {  	s23 =	simm.s32 $0x1B8B  }
0xa2: {  	_ =	swait.ge [sflag:s23], $0x1  }
0xa3: {  	[sflag:s23] =	ssyncset.done $0x0  }
0xa4: {  	s25 =	simm.s32 $0x1B8E;
	s24 =	sld [smem:$0x3FFE];
	[sflag:s23] =	ssyncadd.s32 $0xFFFFFFFF  }
0xa5: {  	s26 =	simm.s32 $execute0_lowered;
	[smem:$0x3FD2] =	sst s25  }
0xa6: {  	s5 =	sshll.u32 s26, $0x1;
	_ =	strace $0x80000046;
	[dreg:$0x1] =	wrdreg $0xFFFFFFFF  }
0xa7: {  	s28 =	simm.s32 $_size_execute0_lowered;
	s3 =	sadd.s32 s3, s5;
	[dreg:$0x0] =	wrdreg $0x0  }
0xa8: {  	s5 =	sshll.u32 s28, $0x1;
	[dreg:$0x2] =	wrdreg s3  }
0xa9: {  	[dreg:$0x3] =	wrdreg s5  }
0xaa: {  	[dreg:$0x4] =	wrdreg $0xC0  }
0xab: {  	_ =	task [dreg:s7], $0x5FFFF  }
0xac: {  	[dreg:$0x1] =	wrdreg $0xFFFFFFFF  }
0xad: {  	[dreg:$0x0] =	wrdreg $0x60  }
0xae: {  	[dreg:$0x2] =	wrdreg s24  }
0xaf: {  	[dreg:$0x3] =	wrdreg s2  }
0xb0: {  	[dreg:$0x4] =	wrdreg $0x9  }
0xb1: {  	_ =	task.clear_ibuf [dreg:s7], $0x5FFFF;
	_ =	strace $0x90000046  }
0xb2: {  	s29 =	simm.s32 $0x9;
	_ =	strace $0x80000048  }
0xb3: {  	_ =	swait.ge [sflag:s29], $0x1  }
0xb4: {  	[sflag:s29] =	ssyncadd.s32 $0xFFFFFFFF  }
0xb5: {  	_ =	strace $0x90000048  }
0xb6: {  	_ =	sfence  }
0xb7: {  	s30 =	sld [smem:$0x0];
	_ =	sdelay $0x2  }
0xb8: {  	s31 =	sshll.u32 s1, $0xD;
	s1 =	sshrl.u32 s1, $0x2  }
0xb9: {  	s3 =	sand.u32 $0x4000, s31;
	s1 =	sadd.s32 s1, s30  }
0xba: {  	s0 =	sor.u32 s3, s0;
	s1 =	sshll.u32 s1, $0x11  }
0xbb: {  	s0 =	sor.u32 s1, s0  }
0xbc: {  	s0 =	sadd.s32 $0x8F2B, s0  }
0xbd: {  	[sflag:s0] =	ssyncadd.remote.s32 $0x1  }
0xbe: {  	_ =	sfence.sel $0xFFFF  }
0xbf: {  	[dreg:$0x0] =	wrdreg $0xFFFFFFFF;
	(pc) =	sbr.abs _section_cstart, $3  }
0xc0: {  	[dreg:$0x1] =	wrdreg $0xFFFFFFFF  }
0xc1: {  	_ =	task.clear_ibuf [dreg:s7], $0x2FFFF;
	_ =	strace $0x9FFFFFFF  }
0xc2: {  	(tm) =	ssettm $0x7FFFFFFF  }
0xc3: {  	_ =	shalt  }
tec
execute0_lowered:
.L_overlay_start_1:
0x0: {  	(tag) =	ssettag $0x1  }
0x1: {  	s5 =	stileid.u32;
	s0 =	rddreg [dreg:$0x0]  }
0x2: {  	s1 =	srdreg.scid;
	s2 =	sshll.u32 s5, $0x1;
	s5 =	sshrl.u32 s5, $0x2  }
0x3: {  	s1 =	sand.u32 $0x1, s1;
	s2 =	sand.u32 $0x6, s2;
	s7 =	smul.u32 $0x189C00, s5  }
0x4: {  	s3 =	rddreg [dreg:$0x1];
	s5 =	smul.u32 $0x3F, s5;
	s4 =	sor.u32 s1, s2  }
0x5: {  	s20 =	ssub.s32 $0x2, s1;
	s2 =	simm.s32 $0x0;
	s6 =	smul.u32 $0x61A800, s4  }
0x6: {  	s0 =	sadd.s32 $0x600, s0;
	s1 =	sshrl.u32 s20, $0x1;
	[smem:$0x7FF] =	sst s2  }
0x7: {  	s22 =	smin.u32 s5, $0xBC;
	_ =	strace $0x80000047;
	s7 =	sadd.s32 s7, s6  }
0x8: {  	[dreg:$0x3] =	wrdreg s0;
	s0 =	ssub.s32 s20, s1;
	s21 =	sshrl.u32 s7, $0x3  }
0x9: {  	s8 =	smin.u32 s5, $0xBB;
	s0 =	smax.u32 s0, $0x1;
	s5 =	sadd.s32 s3, s21  }
0xa: {  	[dreg:$0x17] =	wrdreg s0;
	s1 =	sadd.s32 $0xC80, s5  }
0xb: {  	s23 =	sadd.s32 $0x1900, s5;
	[dreg:$0x4] =	wrdreg s1  }
0xc: {  	s24 =	sadd.s32 $0x2580, s5;
	[dreg:$0x5] =	wrdreg s23  }
0xd: {  	s25 =	sadd.s32 $0x3200, s5;
	[dreg:$0x6] =	wrdreg s24  }
0xe: {  	s26 =	sadd.s32 $0x3E80, s5;
	[dreg:$0x7] =	wrdreg s25  }
0xf: {  	s9 =	sadd.s32 $0x4B00, s5;
	[dreg:$0x8] =	wrdreg s26  }
0x10: {  	s10 =	sadd.s32 $0x5780, s5;
	[dreg:$0x9] =	wrdreg s9  }
0x11: {  	s11 =	sadd.s32 $0x6400, s5;
	[dreg:$0xa] =	wrdreg s10  }
0x12: {  	s13 =	sadd.s32 $0x7080, s5;
	[dreg:$0xb] =	wrdreg s11  }
0x13: {  	s14 =	sadd.s32 $0x7D00, s5;
	[dreg:$0xc] =	wrdreg s13  }
0x14: {  	s16 =	sadd.s32 $0x8980, s5;
	[dreg:$0xd] =	wrdreg s14  }
0x15: {  	s17 =	sadd.s32 $0x9600, s5;
	[dreg:$0xe] =	wrdreg s16  }
0x16: {  	s18 =	sadd.s32 $0xA280, s5;
	[dreg:$0xf] =	wrdreg s17  }
0x17: {  	s19 =	sadd.s32 $0xAF00, s5;
	[dreg:$0x10] =	wrdreg s18  }
0x18: {  	s20 =	sadd.s32 $0xBB80, s5;
	[dreg:$0x11] =	wrdreg s19  }
0x19: {  	s21 =	sadd.s32 $0xC800, s5;
	[dreg:$0x12] =	wrdreg s20  }
0x1a: {  	s12 =	smul.u32 $0x6400, s22;
	s22 =	sadd.s32 $0xD480, s5;
	[dreg:$0x13] =	wrdreg s21  }
0x1b: {  	s7 =	sadd.s32 $0x12C00, s5;
	[dreg:$0x14] =	wrdreg s22  }
0x1c: {  	s15 =	smul.u32 $0x6400, s8;
	s8 =	sadd.s32 $0x13880, s5;
	[dreg:$0x1e] =	wrdreg s7  }
0x1d: {  	s24 =	sadd.s32 $0xE100, s5;
	[dreg:$0x1f] =	wrdreg s8  }
0x1e: {  	s25 =	sadd.s32 $0xED80, s5;
	[dreg:$0x18] =	wrdreg s24  }
0x1f: {  	s26 =	sadd.s32 $0xFA00, s5;
	[dreg:$0x19] =	wrdreg s25  }
0x20: {  	s9 =	sadd.s32 $0x14500, s5;
	[dreg:$0x1a] =	wrdreg s26  }
0x21: {  	s10 =	sadd.s32 $0x15180, s5;
	[smem:$0x7EC] =	sst s9  }
0x22: {  	s11 =	sadd.s32 $0x15E00, s5;
	[smem:$0x7ED] =	sst s10  }
0x23: {  	s1 =	sadd.s32 s6, s12;
	s12 =	sadd.s32 $0x16A80, s5;
	[smem:$0x7EE] =	sst s11  }
0x24: {  	s4 =	sshll.u32 s4, $0xA;
	s13 =	sadd.s32 $0x17700, s5;
	[smem:$0x7EF] =	sst s12  }
0x25: {  	s28 =	sadd.s32 $0x24B80, s5;
	s14 =	sadd.s32 $0x18380, s5;
	[smem:$0x7F0] =	sst s13  }
0x26: {  	s6 =	sadd.s32 s6, s15;
	s15 =	sadd.s32 $0x19000, s5;
	[smem:$0x7F1] =	sst s14  }
0x27: {  	s29 =	sadd.s32 $0x25800, s5;
	s16 =	sadd.s32 $0x19C80, s5;
	[smem:$0x7F2] =	sst s15  }
0x28: {  	s30 =	sadd.s32 $0x26480, s5;
	s17 =	sadd.s32 $0x1A900, s5;
	[smem:$0x7F3] =	sst s16  }
0x29: {  	s31 =	sadd.s32 $0x27100, s5;
	s18 =	sadd.s32 $0x1B580, s5;
	[smem:$0x7F4] =	sst s17  }
0x2a: {  	s0 =	sadd.s32 $0x28A00, s5;
	s19 =	sadd.s32 $0x1C200, s5;
	[smem:$0x7F5] =	sst s18  }
0x2b: {  	s20 =	sadd.s32 $0x1CE80, s5;
	s21 =	sadd.s32 $0x1DB00, s5;
	[smem:$0x7F6] =	sst s19  }
0x2c: {  	s22 =	sadd.s32 $0x1E780, s5;
	s7 =	sadd.s32 $0x2AF80, s5;
	[smem:$0x7F7] =	sst s20  }
0x2d: {  	s8 =	sadd.s32 $0x2BC00, s5;
	s1 =	sshrl.u32 s1, $0x3;
	[smem:$0x7F8] =	sst s21  }
0x2e: {  	s6 =	sshrl.u32 s6, $0x3;
	[smem:$0x7F9] =	sst s22;
	s24 =	sadd.s32 $0x20080, s5  }
0x2f: {  	s25 =	sadd.s32 $0x20D00, s5;
	s26 =	sadd.s32 $0x21980, s5;
	s9 =	sadd.s32 $0x2C880, s5  }
0x30: {  	s10 =	sadd.s32 $0x2D500, s5;
	s11 =	sadd.s32 $0x2E180, s5;
	s12 =	sadd.s32 $0x2EE00, s5  }
0x31: {  	s13 =	simm.s32 $0x2;
	s14 =	simm.s32 $0x2000;
	[smem:$0x7FB] =	sst s24  }
0x32: {  	s15 =	simm.s32 $0x1;
	s1 =	sadd.s32 s3, s1;
	[smem:$0x7FC] =	sst s25  }
0x33: {  	s3 =	sadd.s32 s3, s6;
	s6 =	sadd.s32 $0x11F80, s5;
	[smem:$0x7FD] =	sst s26  }
0x34: {  	s16 =	simm.s32 $0x0;
	s1 =	sadd.s32 $0x2FA80, s1;
	[dreg:$0x1d] =	wrdreg s6  }
0x35: {  	s24 =	sadd.s32 $0x22600, s5;
	s23 =	sadd.s32 $0x30700, s3;
	[dreg:$0x15] =	wrdreg s1  }
0x36: {  	s25 =	sadd.s32 $0x23280, s5;
	s3 =	sadd.s32 $0x11300, s5;
	[dreg:$0x16] =	wrdreg s23  }
0x37: {  	s26 =	sadd.s32 $0x23F00, s5;
	s1 =	sadd.s32 $0x10680, s5;
	[dreg:$0x1c] =	wrdreg s3  }
0x38: {  	s6 =	sadd.s32 $0x2A300, s5;
	s23 =	sadd.s32 $0x1F400, s5;
	[dreg:$0x1b] =	wrdreg s1  }
0x39: {  	s3 =	sadd.s32 $0x29680, s5;
	[smem:$0x7FA] =	sst s23;
	s1 =	sadd.s32 $0x27D80, s5  }
.LBB2_1:
0x3a: {  	s17 =	rddreg [dreg:$0x3]  }
0x3b: {  	[tilespmem:s2], [sflag:$0x2] =	stream.linear.gather [hbm4b:s17+s2], $0x2000, $0x38;
	[tilespmem:$0x8400] =	vst v63  }
0x3c: {  	_ =	swait.ge [sflag:s13], $0x2000  }
0x3d: {  	[sflag:s13] =	ssyncset.done $0x0  }
0x3e: {  	[sflag:s13] =	ssyncadd.s32 $0xFFFFE000  }
0x3f: {  	v0 =	vld [tilespmem:s4+$0x0]  }
0x40: {  	v1 =	vld [tilespmem:s4+$0x80]  }
0x41: {  	v4 =	vld [tilespmem:s4+$0x100]  }
0x42: {  	v6 =	vld [tilespmem:s4+$0x180]  }
0x43: {  	v7 =	vld [tilespmem:s4+$0x200]  }
0x44: {  	s23 =	sand.u32 $0x70, s2;
	s18 =	sand.u32 $0x7C00, s2;
	v5 =	vld [tilespmem:s4+$0x280]  }
0x45: {  	s17 =	sor.u32 s23, s18;
	v2 =	vld [tilespmem:s4+$0x300]  }
0x46: {  	v3 =	vld [tilespmem:s4+$0x380];
	[tilespmem:s17+$0x2080] =	vst v1  }
0x47: {  	[tilespmem:s17+$0x2100] =	vst v4  }
0x48: {  	s21 =	sand.u32 $0x7, s2;
	[tilespmem:s17+$0x2180] =	vst v6  }
0x49: {  	s19 =	simm.s32 $0x10;
	s20 =	simm.s32 $0x0;
	s18 =	simm.s32 $0x0;
	[tilespmem:s17+$0x2200] =	vst v7  }
.LBB2_2:
0x4a: {  	p0 =	sne.s32 s19, $0xC70;
	s21 =	sshll.u32 s21, $0x4;
	[tilespmem:s17+$0x2280] =	vst v5  }
0x4b: {  	s21 =	sadd.s32 s21, s18;
	[tilespmem:s17+$0x2300] =	vst v2;
	s18 =	sadd.s32 $0x80, s18  }
0x4c: {  	s22 =	sand.u32 $0x70, s19;
	s23 =	sand.u32 $0x7C00, s18;
	[tilespmem:s17+$0x2000] =	vst v0;
	s21 =	sor.u32 $0x380, s21  }
.Ltmp0:
0x4d: {  	s17 =	sor.u32 s22, s23;
	[tilespmem:s21+$0x2000] =	vst v3;
	(pc) =	sbr.rel @p0 .LBB2_2-.Ltmp0, $4  }
0x4e: {  	[tilespmem:s17+$0x2080] =	vst v1  }
0x4f: {  	[tilespmem:s17+$0x2100] =	vst v4  }
0x50: {  	s20 =	sadd.s32 $0x1, s20;
	[tilespmem:s17+$0x2180] =	vst v6  }
0x51: {  	s19 =	sadd.s32 $0x10, s19;
	s21 =	sand.u32 $0x7, s20;
	[tilespmem:s17+$0x2200] =	vst v7  }
0x52: {  	s19 =	sshll.u32 s21, $0x4;
	[tilespmem:s17+$0x2280] =	vst v5  }
0x53: {  	[tilespmem:s17+$0x2300] =	vst v2;
	s18 =	sadd.s32 s19, s18  }
0x54: {  	[tilespmem:s17+$0x2000] =	vst v0;
	s19 =	sor.u32 $0x380, s18  }
0x55: {  	s20 =	rddreg [dreg:$0x4];
	[tilespmem:s19+$0x2000] =	vst v3  }
0x56: {  	[hbm4b:s5+s2] =	stream.linear.scatter [tilespmem:s14], [sflag:$0x1], $0x6400, $0x38;
	[tilespmem:$0x8400] =	vst v63  }
0x57: {  	s21 =	rddreg [dreg:$0x5]  }
0x58: {  	[hbm4b:s20+s2] =	stream.linear.scatter [tilespmem:s14], [sflag:$0x1], $0x6400, $0x38;
	[tilespmem:$0x8400] =	vst v63  }
0x59: {  	s22 =	rddreg [dreg:$0x6]  }
0x5a: {  	[hbm4b:s21+s2] =	stream.linear.scatter [tilespmem:s14], [sflag:$0x1], $0x6400, $0x38;
	[tilespmem:$0x8400] =	vst v63  }
0x5b: {  	s23 =	rddreg [dreg:$0x7]  }
0x5c: {  	[hbm4b:s22+s2] =	stream.linear.scatter [tilespmem:s14], [sflag:$0x1], $0x6400, $0x38;
	[tilespmem:$0x8400] =	vst v63  }
0x5d: {  	s18 =	rddreg [dreg:$0x8]  }
0x5e: {  	[hbm4b:s23+s2] =	stream.linear.scatter [tilespmem:s14], [sflag:$0x1], $0x6400, $0x38;
	[tilespmem:$0x8400] =	vst v63  }
0x5f: {  	s19 =	rddreg [dreg:$0x9]  }
0x60: {  	[hbm4b:s18+s2] =	stream.linear.scatter [tilespmem:s14], [sflag:$0x1], $0x6400, $0x38;
	[tilespmem:$0x8400] =	vst v63  }
0x61: {  	s20 =	rddreg [dreg:$0xa]  }
0x62: {  	[hbm4b:s19+s2] =	stream.linear.scatter [tilespmem:s14], [sflag:$0x1], $0x6400, $0x38;
	[tilespmem:$0x8400] =	vst v63  }
0x63: {  	s21 =	rddreg [dreg:$0xb]  }
0x64: {  	[hbm4b:s20+s2] =	stream.linear.scatter [tilespmem:s14], [sflag:$0x1], $0x6400, $0x38;
	[tilespmem:$0x8400] =	vst v63  }
0x65: {  	s22 =	rddreg [dreg:$0xc]  }
0x66: {  	[hbm4b:s21+s2] =	stream.linear.scatter [tilespmem:s14], [sflag:$0x1], $0x6400, $0x38;
	[tilespmem:$0x8400] =	vst v63  }
0x67: {  	s23 =	rddreg [dreg:$0xd]  }
0x68: {  	[hbm4b:s22+s2] =	stream.linear.scatter [tilespmem:s14], [sflag:$0x1], $0x6400, $0x38;
	[tilespmem:$0x8400] =	vst v63  }
0x69: {  	s18 =	rddreg [dreg:$0xe]  }
0x6a: {  	[hbm4b:s23+s2] =	stream.linear.scatter [tilespmem:s14], [sflag:$0x1], $0x6400, $0x38;
	[tilespmem:$0x8400] =	vst v63  }
0x6b: {  	s19 =	rddreg [dreg:$0xf]  }
0x6c: {  	[hbm4b:s18+s2] =	stream.linear.scatter [tilespmem:s14], [sflag:$0x1], $0x6400, $0x38;
	[tilespmem:$0x8400] =	vst v63  }
0x6d: {  	s20 =	rddreg [dreg:$0x10]  }
0x6e: {  	[hbm4b:s19+s2] =	stream.linear.scatter [tilespmem:s14], [sflag:$0x1], $0x6400, $0x38;
	[tilespmem:$0x8400] =	vst v63  }
0x6f: {  	s21 =	rddreg [dreg:$0x11]  }
0x70: {  	[hbm4b:s20+s2] =	stream.linear.scatter [tilespmem:s14], [sflag:$0x1], $0x6400, $0x38;
	[tilespmem:$0x8400] =	vst v63  }
0x71: {  	s22 =	rddreg [dreg:$0x12]  }
0x72: {  	[hbm4b:s21+s2] =	stream.linear.scatter [tilespmem:s14], [sflag:$0x1], $0x6400, $0x38;
	[tilespmem:$0x8400] =	vst v63  }
0x73: {  	s23 =	rddreg [dreg:$0x13]  }
0x74: {  	[hbm4b:s22+s2] =	stream.linear.scatter [tilespmem:s14], [sflag:$0x1], $0x6400, $0x38;
	[tilespmem:$0x8400] =	vst v63  }
0x75: {  	s18 =	rddreg [dreg:$0x14]  }
0x76: {  	[hbm4b:s23+s2] =	stream.linear.scatter [tilespmem:s14], [sflag:$0x1], $0x6400, $0x38;
	[tilespmem:$0x8400] =	vst v63  }
0x77: {  	s19 =	rddreg [dreg:$0x18]  }
0x78: {  	[hbm4b:s18+s2] =	stream.linear.scatter [tilespmem:s14], [sflag:$0x1], $0x6400, $0x38;
	[tilespmem:$0x8400] =	vst v63  }
0x79: {  	s20 =	rddreg [dreg:$0x19]  }
0x7a: {  	[hbm4b:s19+s2] =	stream.linear.scatter [tilespmem:s14], [sflag:$0x1], $0x6400, $0x38;
	[tilespmem:$0x8400] =	vst v63  }
0x7b: {  	s21 =	rddreg [dreg:$0x1a]  }
0x7c: {  	[hbm4b:s20+s2] =	stream.linear.scatter [tilespmem:s14], [sflag:$0x1], $0x6400, $0x38;
	[tilespmem:$0x8400] =	vst v63  }
0x7d: {  	s22 =	rddreg [dreg:$0x1b]  }
0x7e: {  	[hbm4b:s21+s2] =	stream.linear.scatter [tilespmem:s14], [sflag:$0x1], $0x6400, $0x38;
	[tilespmem:$0x8400] =	vst v63  }
0x7f: {  	s23 =	rddreg [dreg:$0x1c]  }
0x80: {  	[hbm4b:s22+s2] =	stream.linear.scatter [tilespmem:s14], [sflag:$0x1], $0x6400, $0x38;
	[tilespmem:$0x8400] =	vst v63  }
0x81: {  	s18 =	rddreg [dreg:$0x1d]  }
0x82: {  	[hbm4b:s23+s2] =	stream.linear.scatter [tilespmem:s14], [sflag:$0x1], $0x6400, $0x38;
	[tilespmem:$0x8400] =	vst v63  }
0x83: {  	s19 =	rddreg [dreg:$0x1e]  }
0x84: {  	[hbm4b:s18+s2] =	stream.linear.scatter [tilespmem:s14], [sflag:$0x1], $0x6400, $0x38;
	[tilespmem:$0x8400] =	vst v63  }
0x85: {  	s20 =	rddreg [dreg:$0x1f]  }
0x86: {  	[hbm4b:s19+s2] =	stream.linear.scatter [tilespmem:s14], [sflag:$0x1], $0x6400, $0x38;
	[tilespmem:$0x8400] =	vst v63  }
0x87: {  	s21 =	sld [smem:$0x7EC]  }
0x88: {  	[hbm4b:s20+s2] =	stream.linear.scatter [tilespmem:s14], [sflag:$0x1], $0x6400, $0x38;
	[tilespmem:$0x8400] =	vst v63  }
0x89: {  	s22 =	sld [smem:$0x7ED]  }
0x8a: {  	[hbm4b:s21+s2] =	stream.linear.scatter [tilespmem:s14], [sflag:$0x1], $0x6400, $0x38;
	[tilespmem:$0x8400] =	vst v63  }
0x8b: {  	s23 =	sld [smem:$0x7EE]  }
0x8c: {  	[hbm4b:s22+s2] =	stream.linear.scatter [tilespmem:s14], [sflag:$0x1], $0x6400, $0x38;
	[tilespmem:$0x8400] =	vst v63  }
0x8d: {  	s18 =	sld [smem:$0x7EF]  }
0x8e: {  	[hbm4b:s23+s2] =	stream.linear.scatter [tilespmem:s14], [sflag:$0x1], $0x6400, $0x38;
	[tilespmem:$0x8400] =	vst v63  }
0x8f: {  	s19 =	sld [smem:$0x7F0]  }
0x90: {  	[hbm4b:s18+s2] =	stream.linear.scatter [tilespmem:s14], [sflag:$0x1], $0x6400, $0x38;
	[tilespmem:$0x8400] =	vst v63  }
0x91: {  	s20 =	sld [smem:$0x7F1]  }
0x92: {  	[hbm4b:s19+s2] =	stream.linear.scatter [tilespmem:s14], [sflag:$0x1], $0x6400, $0x38;
	[tilespmem:$0x8400] =	vst v63  }
0x93: {  	s21 =	sld [smem:$0x7F2]  }
0x94: {  	[hbm4b:s20+s2] =	stream.linear.scatter [tilespmem:s14], [sflag:$0x1], $0x6400, $0x38;
	[tilespmem:$0x8400] =	vst v63  }
0x95: {  	s22 =	sld [smem:$0x7F3]  }
0x96: {  	[hbm4b:s21+s2] =	stream.linear.scatter [tilespmem:s14], [sflag:$0x1], $0x6400, $0x38;
	[tilespmem:$0x8400] =	vst v63  }
0x97: {  	s23 =	sld [smem:$0x7F4]  }
0x98: {  	[hbm4b:s22+s2] =	stream.linear.scatter [tilespmem:s14], [sflag:$0x1], $0x6400, $0x38;
	[tilespmem:$0x8400] =	vst v63  }
0x99: {  	s18 =	sld [smem:$0x7F5]  }
0x9a: {  	[hbm4b:s23+s2] =	stream.linear.scatter [tilespmem:s14], [sflag:$0x1], $0x6400, $0x38;
	[tilespmem:$0x8400] =	vst v63  }
0x9b: {  	s19 =	sld [smem:$0x7F6]  }
0x9c: {  	[hbm4b:s18+s2] =	stream.linear.scatter [tilespmem:s14], [sflag:$0x1], $0x6400, $0x38;
	[tilespmem:$0x8400] =	vst v63  }
0x9d: {  	s20 =	sld [smem:$0x7F7]  }
0x9e: {  	[hbm4b:s19+s2] =	stream.linear.scatter [tilespmem:s14], [sflag:$0x1], $0x6400, $0x38;
	[tilespmem:$0x8400] =	vst v63  }
0x9f: {  	s21 =	sld [smem:$0x7F8]  }
0xa0: {  	[hbm4b:s20+s2] =	stream.linear.scatter [tilespmem:s14], [sflag:$0x1], $0x6400, $0x38;
	[tilespmem:$0x8400] =	vst v63  }
0xa1: {  	s22 =	sld [smem:$0x7F9]  }
0xa2: {  	[hbm4b:s21+s2] =	stream.linear.scatter [tilespmem:s14], [sflag:$0x1], $0x6400, $0x38;
	[tilespmem:$0x8400] =	vst v63  }
0xa3: {  	s23 =	sld [smem:$0x7FA]  }
0xa4: {  	[hbm4b:s22+s2] =	stream.linear.scatter [tilespmem:s14], [sflag:$0x1], $0x6400, $0x38;
	[tilespmem:$0x8400] =	vst v63  }
0xa5: {  	s18 =	sld [smem:$0x7FB]  }
0xa6: {  	[hbm4b:s23+s2] =	stream.linear.scatter [tilespmem:s14], [sflag:$0x1], $0x6400, $0x38;
	[tilespmem:$0x8400] =	vst v63  }
0xa7: {  	s19 =	sld [smem:$0x7FC]  }
0xa8: {  	[hbm4b:s18+s2] =	stream.linear.scatter [tilespmem:s14], [sflag:$0x1], $0x6400, $0x38;
	[tilespmem:$0x8400] =	vst v63  }
0xa9: {  	s20 =	sld [smem:$0x7FD]  }
0xaa: {  	[hbm4b:s19+s2] =	stream.linear.scatter [tilespmem:s14], [sflag:$0x1], $0x6400, $0x38;
	[tilespmem:$0x8400] =	vst v63  }
0xab: {  	_ = 	snop  }
0xac: {  	[hbm4b:s20+s2] =	stream.linear.scatter [tilespmem:s14], [sflag:$0x1], $0x6400, $0x38;
	[tilespmem:$0x8400] =	vst v63  }
0xad: {  	_ = 	snop  }
0xae: {  	[hbm4b:s24+s2] =	stream.linear.scatter [tilespmem:s14], [sflag:$0x1], $0x6400, $0x38;
	[tilespmem:$0x8400] =	vst v63  }
0xaf: {  	_ = 	snop  }
0xb0: {  	[hbm4b:s25+s2] =	stream.linear.scatter [tilespmem:s14], [sflag:$0x1], $0x6400, $0x38;
	[tilespmem:$0x8400] =	vst v63  }
0xb1: {  	_ = 	snop  }
0xb2: {  	[hbm4b:s26+s2] =	stream.linear.scatter [tilespmem:s14], [sflag:$0x1], $0x6400, $0x38;
	[tilespmem:$0x8400] =	vst v63  }
0xb3: {  	_ = 	snop  }
0xb4: {  	[hbm4b:s28+s2] =	stream.linear.scatter [tilespmem:s14], [sflag:$0x1], $0x6400, $0x38;
	[tilespmem:$0x8400] =	vst v63  }
0xb5: {  	_ = 	snop  }
0xb6: {  	[hbm4b:s29+s2] =	stream.linear.scatter [tilespmem:s14], [sflag:$0x1], $0x6400, $0x38;
	[tilespmem:$0x8400] =	vst v63  }
0xb7: {  	_ = 	snop  }
0xb8: {  	[hbm4b:s30+s2] =	stream.linear.scatter [tilespmem:s14], [sflag:$0x1], $0x6400, $0x38;
	[tilespmem:$0x8400] =	vst v63  }
0xb9: {  	_ = 	snop  }
0xba: {  	[hbm4b:s31+s2] =	stream.linear.scatter [tilespmem:s14], [sflag:$0x1], $0x6400, $0x38;
	[tilespmem:$0x8400] =	vst v63  }
0xbb: {  	_ = 	snop  }
0xbc: {  	[hbm4b:s1+s2] =	stream.linear.scatter [tilespmem:s14], [sflag:$0x1], $0x6400, $0x38;
	[tilespmem:$0x8400] =	vst v63  }
0xbd: {  	_ = 	snop  }
0xbe: {  	[hbm4b:s0+s2] =	stream.linear.scatter [tilespmem:s14], [sflag:$0x1], $0x6400, $0x38;
	[tilespmem:$0x8400] =	vst v63  }
0xbf: {  	_ = 	snop  }
0xc0: {  	[hbm4b:s3+s2] =	stream.linear.scatter [tilespmem:s14], [sflag:$0x1], $0x6400, $0x38;
	[tilespmem:$0x8400] =	vst v63  }
0xc1: {  	_ = 	snop  }
0xc2: {  	[hbm4b:s6+s2] =	stream.linear.scatter [tilespmem:s14], [sflag:$0x1], $0x6400, $0x38;
	[tilespmem:$0x8400] =	vst v63  }
0xc3: {  	_ = 	snop  }
0xc4: {  	[hbm4b:s7+s2] =	stream.linear.scatter [tilespmem:s14], [sflag:$0x1], $0x6400, $0x38;
	[tilespmem:$0x8400] =	vst v63  }
0xc5: {  	_ = 	snop  }
0xc6: {  	[hbm4b:s8+s2] =	stream.linear.scatter [tilespmem:s14], [sflag:$0x1], $0x6400, $0x38;
	[tilespmem:$0x8400] =	vst v63  }
0xc7: {  	_ = 	snop  }
0xc8: {  	[hbm4b:s9+s2] =	stream.linear.scatter [tilespmem:s14], [sflag:$0x1], $0x6400, $0x38;
	[tilespmem:$0x8400] =	vst v63  }
0xc9: {  	_ = 	snop  }
0xca: {  	[hbm4b:s10+s2] =	stream.linear.scatter [tilespmem:s14], [sflag:$0x1], $0x6400, $0x38;
	[tilespmem:$0x8400] =	vst v63  }
0xcb: {  	_ = 	snop  }
0xcc: {  	[hbm4b:s11+s2] =	stream.linear.scatter [tilespmem:s14], [sflag:$0x1], $0x6400, $0x38;
	[tilespmem:$0x8400] =	vst v63  }
0xcd: {  	_ = 	snop  }
0xce: {  	[hbm4b:s12+s2] =	stream.linear.scatter [tilespmem:s14], [sflag:$0x1], $0x6400, $0x38;
	[tilespmem:$0x8400] =	vst v63  }
0xcf: {  	s21 =	rddreg [dreg:$0x15]  }
0xd0: {  	[hbm4b:s21+s2] =	stream.linear.scatter [tilespmem:s14], [sflag:$0x1], $0x6400, $0x38;
	[tilespmem:$0x8400] =	vst v63  }
0xd1: {  	s22 =	rddreg [dreg:$0x16]  }
0xd2: {  	[hbm4b:s22+s2] =	stream.linear.scatter [tilespmem:s14], [sflag:$0x1], $0x6400, $0x38;
	[tilespmem:$0x8400] =	vst v63  }
0xd3: {  	_ =	swait.ge [sflag:s15], $0x6400  }
0xd4: {  	[sflag:s15] =	ssyncset.done $0x0  }
0xd5: {  	[sflag:s15] =	ssyncadd.s32 $0xFFFF9C00  }
0xd6: {  	_ =	swait.ge [sflag:s15], $0x6400  }
0xd7: {  	[sflag:s15] =	ssyncset.done $0x0  }
0xd8: {  	[sflag:s15] =	ssyncadd.s32 $0xFFFF9C00  }
0xd9: {  	_ =	swait.ge [sflag:s15], $0x6400  }
0xda: {  	[sflag:s15] =	ssyncset.done $0x0  }
0xdb: {  	[sflag:s15] =	ssyncadd.s32 $0xFFFF9C00  }
0xdc: {  	_ =	swait.ge [sflag:s15], $0x6400  }
0xdd: {  	[sflag:s15] =	ssyncset.done $0x0  }
0xde: {  	[sflag:s15] =	ssyncadd.s32 $0xFFFF9C00  }
0xdf: {  	_ =	swait.ge [sflag:s15], $0x6400  }
0xe0: {  	[sflag:s15] =	ssyncset.done $0x0  }
0xe1: {  	[sflag:s15] =	ssyncadd.s32 $0xFFFF9C00  }
0xe2: {  	_ =	swait.ge [sflag:s15], $0x6400  }
0xe3: {  	[sflag:s15] =	ssyncset.done $0x0  }
0xe4: {  	[sflag:s15] =	ssyncadd.s32 $0xFFFF9C00  }
0xe5: {  	_ =	swait.ge [sflag:s15], $0x6400  }
0xe6: {  	[sflag:s15] =	ssyncset.done $0x0  }
0xe7: {  	[sflag:s15] =	ssyncadd.s32 $0xFFFF9C00  }
0xe8: {  	_ =	swait.ge [sflag:s15], $0x6400  }
0xe9: {  	[sflag:s15] =	ssyncset.done $0x0  }
0xea: {  	[sflag:s15] =	ssyncadd.s32 $0xFFFF9C00  }
0xeb: {  	_ =	swait.ge [sflag:s15], $0x6400  }
0xec: {  	[sflag:s15] =	ssyncset.done $0x0  }
0xed: {  	[sflag:s15] =	ssyncadd.s32 $0xFFFF9C00  }
0xee: {  	_ =	swait.ge [sflag:s15], $0x6400  }
0xef: {  	[sflag:s15] =	ssyncset.done $0x0  }
0xf0: {  	[sflag:s15] =	ssyncadd.s32 $0xFFFF9C00  }
0xf1: {  	_ =	swait.ge [sflag:s15], $0x6400  }
0xf2: {  	[sflag:s15] =	ssyncset.done $0x0  }
0xf3: {  	[sflag:s15] =	ssyncadd.s32 $0xFFFF9C00  }
0xf4: {  	_ =	swait.ge [sflag:s15], $0x6400  }
0xf5: {  	[sflag:s15] =	ssyncset.done $0x0  }
0xf6: {  	[sflag:s15] =	ssyncadd.s32 $0xFFFF9C00  }
0xf7: {  	_ =	swait.ge [sflag:s15], $0x6400  }
0xf8: {  	[sflag:s15] =	ssyncset.done $0x0  }
0xf9: {  	[sflag:s15] =	ssyncadd.s32 $0xFFFF9C00  }
0xfa: {  	_ =	swait.ge [sflag:s15], $0x6400  }
0xfb: {  	[sflag:s15] =	ssyncset.done $0x0  }
0xfc: {  	[sflag:s15] =	ssyncadd.s32 $0xFFFF9C00  }
0xfd: {  	_ =	swait.ge [sflag:s15], $0x6400  }
0xfe: {  	[sflag:s15] =	ssyncset.done $0x0  }
0xff: {  	[sflag:s15] =	ssyncadd.s32 $0xFFFF9C00  }
0x100: {  	_ =	swait.ge [sflag:s15], $0x6400  }
0x101: {  	[sflag:s15] =	ssyncset.done $0x0  }
0x102: {  	[sflag:s15] =	ssyncadd.s32 $0xFFFF9C00  }
0x103: {  	_ =	swait.ge [sflag:s15], $0x6400  }
0x104: {  	[sflag:s15] =	ssyncset.done $0x0  }
0x105: {  	[sflag:s15] =	ssyncadd.s32 $0xFFFF9C00  }
0x106: {  	_ =	swait.ge [sflag:s15], $0x6400  }
0x107: {  	[sflag:s15] =	ssyncset.done $0x0  }
0x108: {  	[sflag:s15] =	ssyncadd.s32 $0xFFFF9C00  }
0x109: {  	_ =	swait.ge [sflag:s15], $0x6400  }
0x10a: {  	[sflag:s15] =	ssyncset.done $0x0  }
0x10b: {  	[sflag:s15] =	ssyncadd.s32 $0xFFFF9C00  }
0x10c: {  	_ =	swait.ge [sflag:s15], $0x6400  }
0x10d: {  	[sflag:s15] =	ssyncset.done $0x0  }
0x10e: {  	[sflag:s15] =	ssyncadd.s32 $0xFFFF9C00  }
0x10f: {  	_ =	swait.ge [sflag:s15], $0x6400  }
0x110: {  	[sflag:s15] =	ssyncset.done $0x0  }
0x111: {  	[sflag:s15] =	ssyncadd.s32 $0xFFFF9C00  }
0x112: {  	_ =	swait.ge [sflag:s15], $0x6400  }
0x113: {  	[sflag:s15] =	ssyncset.done $0x0  }
0x114: {  	[sflag:s15] =	ssyncadd.s32 $0xFFFF9C00  }
0x115: {  	_ =	swait.ge [sflag:s15], $0x6400  }
0x116: {  	[sflag:s15] =	ssyncset.done $0x0  }
0x117: {  	[sflag:s15] =	ssyncadd.s32 $0xFFFF9C00  }
0x118: {  	_ =	swait.ge [sflag:s15], $0x6400  }
0x119: {  	[sflag:s15] =	ssyncset.done $0x0  }
0x11a: {  	[sflag:s15] =	ssyncadd.s32 $0xFFFF9C00  }
0x11b: {  	_ =	swait.ge [sflag:s15], $0x6400  }
0x11c: {  	[sflag:s15] =	ssyncset.done $0x0  }
0x11d: {  	[sflag:s15] =	ssyncadd.s32 $0xFFFF9C00  }
0x11e: {  	_ =	swait.ge [sflag:s15], $0x6400  }
0x11f: {  	[sflag:s15] =	ssyncset.done $0x0  }
0x120: {  	[sflag:s15] =	ssyncadd.s32 $0xFFFF9C00  }
0x121: {  	_ =	swait.ge [sflag:s15], $0x6400  }
0x122: {  	[sflag:s15] =	ssyncset.done $0x0  }
0x123: {  	[sflag:s15] =	ssyncadd.s32 $0xFFFF9C00  }
0x124: {  	_ =	swait.ge [sflag:s15], $0x6400  }
0x125: {  	[sflag:s15] =	ssyncset.done $0x0  }
0x126: {  	[sflag:s15] =	ssyncadd.s32 $0xFFFF9C00  }
0x127: {  	_ =	swait.ge [sflag:s15], $0x6400  }
0x128: {  	[sflag:s15] =	ssyncset.done $0x0  }
0x129: {  	[sflag:s15] =	ssyncadd.s32 $0xFFFF9C00  }
0x12a: {  	_ =	swait.ge [sflag:s15], $0x6400  }
0x12b: {  	[sflag:s15] =	ssyncset.done $0x0  }
0x12c: {  	[sflag:s15] =	ssyncadd.s32 $0xFFFF9C00  }
0x12d: {  	_ =	swait.ge [sflag:s15], $0x6400  }
0x12e: {  	[sflag:s15] =	ssyncset.done $0x0  }
0x12f: {  	[sflag:s15] =	ssyncadd.s32 $0xFFFF9C00  }
0x130: {  	_ =	swait.ge [sflag:s15], $0x6400  }
0x131: {  	[sflag:s15] =	ssyncset.done $0x0  }
0x132: {  	[sflag:s15] =	ssyncadd.s32 $0xFFFF9C00  }
0x133: {  	_ =	swait.ge [sflag:s15], $0x6400  }
0x134: {  	[sflag:s15] =	ssyncset.done $0x0  }
0x135: {  	[sflag:s15] =	ssyncadd.s32 $0xFFFF9C00  }
0x136: {  	_ =	swait.ge [sflag:s15], $0x6400  }
0x137: {  	[sflag:s15] =	ssyncset.done $0x0  }
0x138: {  	[sflag:s15] =	ssyncadd.s32 $0xFFFF9C00  }
0x139: {  	_ =	swait.ge [sflag:s15], $0x6400  }
0x13a: {  	[sflag:s15] =	ssyncset.done $0x0  }
0x13b: {  	[sflag:s15] =	ssyncadd.s32 $0xFFFF9C00  }
0x13c: {  	_ =	swait.ge [sflag:s15], $0x6400  }
0x13d: {  	[sflag:s15] =	ssyncset.done $0x0  }
0x13e: {  	[sflag:s15] =	ssyncadd.s32 $0xFFFF9C00  }
0x13f: {  	_ =	swait.ge [sflag:s15], $0x6400  }
0x140: {  	[sflag:s15] =	ssyncset.done $0x0  }
0x141: {  	[sflag:s15] =	ssyncadd.s32 $0xFFFF9C00  }
0x142: {  	_ =	swait.ge [sflag:s15], $0x6400  }
0x143: {  	[sflag:s15] =	ssyncset.done $0x0  }
0x144: {  	[sflag:s15] =	ssyncadd.s32 $0xFFFF9C00  }
0x145: {  	_ =	swait.ge [sflag:s15], $0x6400  }
0x146: {  	[sflag:s15] =	ssyncset.done $0x0  }
0x147: {  	[sflag:s15] =	ssyncadd.s32 $0xFFFF9C00  }
0x148: {  	_ =	swait.ge [sflag:s15], $0x6400  }
0x149: {  	[sflag:s15] =	ssyncset.done $0x0  }
0x14a: {  	[sflag:s15] =	ssyncadd.s32 $0xFFFF9C00  }
0x14b: {  	_ =	swait.ge [sflag:s15], $0x6400  }
0x14c: {  	[sflag:s15] =	ssyncset.done $0x0  }
0x14d: {  	[sflag:s15] =	ssyncadd.s32 $0xFFFF9C00  }
0x14e: {  	_ =	swait.ge [sflag:s15], $0x6400  }
0x14f: {  	[sflag:s15] =	ssyncset.done $0x0  }
0x150: {  	[sflag:s15] =	ssyncadd.s32 $0xFFFF9C00  }
0x151: {  	_ =	swait.ge [sflag:s15], $0x6400  }
0x152: {  	[sflag:s15] =	ssyncset.done $0x0  }
0x153: {  	[sflag:s15] =	ssyncadd.s32 $0xFFFF9C00  }
0x154: {  	_ =	swait.ge [sflag:s15], $0x6400  }
0x155: {  	[sflag:s15] =	ssyncset.done $0x0  }
0x156: {  	[sflag:s15] =	ssyncadd.s32 $0xFFFF9C00  }
0x157: {  	_ =	swait.ge [sflag:s15], $0x6400  }
0x158: {  	[sflag:s15] =	ssyncset.done $0x0  }
0x159: {  	[sflag:s15] =	ssyncadd.s32 $0xFFFF9C00  }
0x15a: {  	_ =	swait.ge [sflag:s15], $0x6400  }
0x15b: {  	[sflag:s15] =	ssyncset.done $0x0  }
0x15c: {  	[sflag:s15] =	ssyncadd.s32 $0xFFFF9C00  }
0x15d: {  	_ =	swait.ge [sflag:s15], $0x6400  }
0x15e: {  	[sflag:s15] =	ssyncset.done $0x0  }
0x15f: {  	[sflag:s15] =	ssyncadd.s32 $0xFFFF9C00  }
0x160: {  	_ =	swait.ge [sflag:s15], $0x6400  }
0x161: {  	[sflag:s15] =	ssyncset.done $0x0  }
0x162: {  	[sflag:s15] =	ssyncadd.s32 $0xFFFF9C00  }
0x163: {  	_ =	swait.ge [sflag:s15], $0x6400  }
0x164: {  	[sflag:s15] =	ssyncset.done $0x0  }
0x165: {  	[sflag:s15] =	ssyncadd.s32 $0xFFFF9C00  }
0x166: {  	_ =	swait.ge [sflag:s15], $0x6400  }
0x167: {  	[sflag:s15] =	ssyncset.done $0x0  }
0x168: {  	[sflag:s15] =	ssyncadd.s32 $0xFFFF9C00  }
0x169: {  	_ =	swait.ge [sflag:s15], $0x6400  }
0x16a: {  	[sflag:s15] =	ssyncset.done $0x0  }
0x16b: {  	[sflag:s15] =	ssyncadd.s32 $0xFFFF9C00  }
0x16c: {  	_ =	swait.ge [sflag:s15], $0x6400  }
0x16d: {  	[sflag:s15] =	ssyncset.done $0x0  }
0x16e: {  	[sflag:s15] =	ssyncadd.s32 $0xFFFF9C00  }
0x16f: {  	_ =	swait.ge [sflag:s15], $0x6400  }
0x170: {  	[sflag:s15] =	ssyncset.done $0x0  }
0x171: {  	[sflag:s15] =	ssyncadd.s32 $0xFFFF9C00  }
0x172: {  	_ =	swait.ge [sflag:s15], $0x6400  }
0x173: {  	[sflag:s15] =	ssyncset.done $0x0  }
0x174: {  	[sflag:s15] =	ssyncadd.s32 $0xFFFF9C00  }
0x175: {  	_ =	swait.ge [sflag:s15], $0x6400  }
0x176: {  	[sflag:s15] =	ssyncset.done $0x0  }
0x177: {  	[sflag:s15] =	ssyncadd.s32 $0xFFFF9C00  }
0x178: {  	_ =	swait.ge [sflag:s15], $0x6400  }
0x179: {  	[sflag:s15] =	ssyncset.done $0x0  }
0x17a: {  	[sflag:s15] =	ssyncadd.s32 $0xFFFF9C00  }
0x17b: {  	_ =	swait.ge [sflag:s15], $0x6400  }
0x17c: {  	[sflag:s15] =	ssyncset.done $0x0  }
0x17d: {  	[sflag:s15] =	ssyncadd.s32 $0xFFFF9C00  }
0x17e: {  	_ =	swait.ge [sflag:s15], $0x6400  }
0x17f: {  	[sflag:s15] =	ssyncset.done $0x0  }
0x180: {  	[sflag:s15] =	ssyncadd.s32 $0xFFFF9C00  }
0x181: {  	_ =	swait.ge [sflag:s15], $0x6400  }
0x182: {  	[sflag:s15] =	ssyncset.done $0x0  }
0x183: {  	[sflag:s15] =	ssyncadd.s32 $0xFFFF9C00  }
0x184: {  	_ =	swait.ge [sflag:s15], $0x6400  }
0x185: {  	[sflag:s15] =	ssyncset.done $0x0  }
0x186: {  	[sflag:s15] =	ssyncadd.s32 $0xFFFF9C00  }
0x187: {  	_ =	swait.ge [sflag:s15], $0x6400  }
0x188: {  	[sflag:s15] =	ssyncset.done $0x0  }
0x189: {  	[sflag:s15] =	ssyncadd.s32 $0xFFFF9C00  }
0x18a: {  	_ =	swait.ge [sflag:s15], $0x6400  }
0x18b: {  	[sflag:s15] =	ssyncset.done $0x0  }
0x18c: {  	[sflag:s15] =	ssyncadd.s32 $0xFFFF9C00  }
0x18d: {  	_ =	swait.ge [sflag:s15], $0x6400  }
0x18e: {  	s16 =	sadd.s32 $0x1, s16;
	s23 =	rddreg [dreg:$0x17]  }
0x18f: {  	p0 =	sne.s32 s16, s23  }
.Ltmp1:
0x190: {  	_ = 	snop;
	(pc) =	sbr.rel @p0 .LBB2_1-.Ltmp1, $3  }
0x191: {  	_ =	sdelay $0x1  }
0x192: {  	[sflag:s15] =	ssyncset.done $0x0  }
0x193: {  	[sflag:s15] =	ssyncadd.s32 $0xFFFF9C00  }
0x194: {  	_ =	sfence.sel $0x180000  }
0x195: {  	[bflag:$0x0] =	sbarrier.arrive $0xFFFF  }
0x196: {  	_ =	strace $0x90000047  }
0x197: {  	s0 =	stileid.u32;
	[bflag:$0x2] =	sbarrier.arrive $0xFFFF  }
0x198: {  	p0 =	sne.s32 s0, $0x0;
	s0 =	rddreg [dreg:$0x2]  }
0x199: {  	s0 =	sadd.s32 @!p0 $0x100000, s0  }
0x19a: {  	[sflag:s0] =	ssyncadd.tile.s32 @!p0 $0x1;
	_ =	shalt  }
.Lfunc_end2:
_tile_overlayer_lowered:
.L_overlay_start_2:
0x19b: {  	(tag) =	ssettag $0x2  }
0x19c: {  	s0 =	rddreg [dreg:$0x0];
	s2 =	stileid.u32  }
0x19d: {  	s1 =	rddreg [dreg:$0x1];
	p0 =	sne.s32 s2, $0x0  }
0x19e: {  	s3 =	rddreg [dreg:$0x2];
	[bflag:$0x3] =	sbarrier.arrive $0xFFFF;
	s2 =	simm.s32 @!p0 $0x1C02  }
0x19f: {  	[timem:s3], [sflag:s2] =	dma.local @!p0 [hbm:s0], s1  }
0x1a0: {  	s0 =	simm.s32 @!p0 $0x2  }
0x1a1: {  	_ =	swait.ge @!p0 [sflag:s0], s1  }
0x1a2: {  	s1 =	ssub.s32 @!p0 $0x0, s1;
	[sflag:s0] =	ssyncset.done @!p0 $0x0  }
0x1a3: {  	[sflag:s0] =	ssyncadd.s32 @!p0 s1  }
0x1a4: {  	[bflag:$0x3] =	sbarrier.arrive $0xFFFF  }
0x1a5: {  	_ =	shalt  }

</sc_bundles>
